<compile_context>
chip_gen: v7x
topology: tpu7x:2x2x1
jax: 0.10.2.dev20260603
libtpu: 0.0.44.dev20260713+nightly
codegen_flags: <defaults>
</compile_context>

<pallas_src>
import jax
import jax.numpy as jnp
from jax import lax
from jax.experimental import pallas as pl
from jax.experimental.pallas import tpu as pltpu
from jax.experimental.pallas import tpu_sc as plsc

TRIM_FRAC = 0.1
N = 4 * 4096 * 1024
TRIM = int(N * TRIM_FRAC)
KEPT = N - 2 * TRIM

NB = 16384
SHIFT = 17
NW = 32
LANES = 16

NCOL = 1024
NROW = N // NCOL
RPW = NROW // NW
CROWS = 16
NCH = RPW // CROWS
UNROLL = 8

RB, CB = NB // 128, 128


def _hist_body(inp, tgt, cnt_out,
               in_bufs, tg_bufs, cnt_h, in_sems, tg_sems):
    wid = lax.axis_index("s") * 2 + lax.axis_index("c")
    base = wid * RPW

    @plsc.parallel_loop(0, NB // LANES, 1, unroll=UNROLL)
    def _zero(i):
        r = lax.shift_right_logical(i, 3)
        o = (i & 7) * LANES
        cnt_h[r, pl.ds(o, LANES)] = jnp.zeros((LANES,), jnp.int32)

    ones = jnp.ones((LANES,), jnp.int32)
    shift = jnp.full((LANES,), SHIFT, jnp.int32)
    shift_hi = jnp.full((LANES,), SHIFT + 7, jnp.int32)
    colmask = jnp.full((LANES,), CB - 1, jnp.int32)

    def copies(g, b):
        row0 = base + g * CROWS
        return (
            pltpu.make_async_copy(inp.at[pl.ds(row0, CROWS)], in_bufs[b],
                                  in_sems.at[b]),
            pltpu.make_async_copy(tgt.at[pl.ds(row0, CROWS)], tg_bufs[b],
                                  tg_sems.at[b]),
        )

    for b in range(2):
        for c in copies(b, b):
            c.start()

    def chunk_pair(j, acc):
        for b in range(2):
            g = 2 * j + b
            for c in copies(g, b):
                c.wait()

            @plsc.parallel_loop(0, CROWS * NCOL // LANES, 1, unroll=UNROLL,
                                carry=acc)
            def _inner(i, a_sum, b=b):
                r = lax.shift_right_logical(i, 6)
                o = (i & (NCOL // LANES - 1)) * LANES
                a = in_bufs[b][r, pl.ds(o, LANES)]
                t = tg_bufs[b][r, pl.ds(o, LANES)]
                d = a - t
                e = d * d
                bits = lax.bitcast_convert_type(e, jnp.int32)
                brow = lax.shift_right_logical(bits, shift_hi)
                bcol = lax.shift_right_logical(bits, shift) & colmask
                plsc.addupdate_scatter(cnt_h, [brow, bcol], ones)
                return a_sum + e

            acc = _inner

            @pl.when(g + 2 < NCH)
            def _(g=g, b=b):
                for c in copies(g + 2, b):
                    c.start()
        return acc

    acc = lax.fori_loop(0, NCH // 2, chunk_pair,
                        jnp.zeros((LANES,), jnp.float32))

    cnt_h[RB - 1, pl.ds(CB - LANES, LANES)] = (
        lax.bitcast_convert_type(acc, jnp.int32))
    pltpu.sync_copy(cnt_h, cnt_out.at[wid])


_hist = pl.kernel(
    _hist_body,
    out_type=jax.ShapeDtypeStruct((NW, RB, CB), jnp.int32),
    mesh=plsc.VectorSubcoreMesh(core_axis_name="c", subcore_axis_name="s"),
    compiler_params=pltpu.CompilerParams(
        needs_layout_passes=False,
        use_tc_tiling_on_sc=True,
    ),
    scratch_types=[
        [pltpu.VMEM((CROWS, NCOL), jnp.float32)] * 2,
        [pltpu.VMEM((CROWS, NCOL), jnp.float32)] * 2,
        pltpu.VMEM((RB, CB), jnp.int32),
        pltpu.SemaphoreType.DMA((2,)),
        pltpu.SemaphoreType.DMA((2,)),
    ],
)


def _select_body(cnt_ref, out_ref):
    raw = cnt_ref[...]

    rr = lax.broadcasted_iota(jnp.int32, (RB, CB), 0)
    cc = lax.broadcasted_iota(jnp.int32, (RB, CB), 1)
    stash_mask = jnp.logical_and(rr == RB - 1, cc >= CB - LANES)

    total = jnp.sum(jnp.where(stash_mask[None],
                              lax.bitcast_convert_type(raw, jnp.float32),
                              0.0))

    cnt = jnp.sum(raw.astype(jnp.float32), axis=0)
    cnt = jnp.where(stash_mask, 0.0, cnt)

    pat = (rr * CB + cc) * (2 ** SHIFT) + 2 ** (SHIFT - 1)
    mid = lax.bitcast_convert_type(pat, jnp.float32)
    mid = jnp.where(jnp.isfinite(mid), mid, 0.0)
    csum = cnt * mid

    ii = lax.broadcasted_iota(jnp.int32, (CB, CB), 0)
    jj = lax.broadcasted_iota(jnp.int32, (CB, CB), 1)
    upper_inc = (ii <= jj).astype(jnp.float32)
    rowcum = jnp.dot(cnt, upper_inc, preferred_element_type=jnp.float32,
                     precision=lax.Precision.HIGHEST)

    ri = lax.broadcasted_iota(jnp.int32, (RB, RB), 0)
    rj = lax.broadcasted_iota(jnp.int32, (RB, RB), 1)
    lower_strict = (rj < ri).astype(jnp.float32)
    rowtot = jnp.sum(cnt, axis=1, keepdims=True)
    prevrows = jnp.dot(lower_strict, rowtot,
                       preferred_element_type=jnp.float32,
                       precision=lax.Precision.HIGHEST)

    cum = rowcum + prevrows
    cum_prev = cum - cnt

    k1 = jnp.float32(TRIM)
    k2 = jnp.float32(N - TRIM)
    zero = jnp.zeros_like(csum)

    sum_below = jnp.sum(jnp.where(cum <= k1, csum, zero))
    lo_bnd = jnp.logical_and(cum_prev < k1, cum > k1)
    lo_prev = jnp.sum(jnp.where(lo_bnd, cum_prev, zero))
    mid_lo = jnp.sum(jnp.where(lo_bnd, mid, zero))
    bottom = sum_below + (k1 - lo_prev) * mid_lo

    sum_above = jnp.sum(jnp.where(cum_prev >= k2, csum, zero))
    hi_bnd = jnp.logical_and(cum_prev < k2, cum > k2)
    hi_cum = jnp.sum(jnp.where(hi_bnd, cum, zero))
    mid_hi = jnp.sum(jnp.where(hi_bnd, mid, zero))
    top = sum_above + (hi_cum - k2) * mid_hi

    out_ref[0, 0] = (total - bottom - top) / jnp.float32(KEPT)


_select = pl.pallas_call(
    _select_body,
    out_shape=jax.ShapeDtypeStruct((1, 1), jnp.float32),
    out_specs=pl.BlockSpec(memory_space=pltpu.SMEM),
)


@jax.jit
def kernel(input, target):
    inp = input.reshape(NROW, NCOL)
    tgt = target.reshape(NROW, NCOL)
    cnt = _hist(inp, tgt)
    res = _select(cnt)
    return res[0, 0]

# --- scband reference (transcript-rebuilt; emitter-appended) ---
"""Pipeline reference for scband-trimmed-loss-87582973100753 (READ-ONLY COPY).

The authoritative reference and input builder live on the scoring server;
editing this copy changes nothing except your own understanding.
"""

import jax, jax.numpy as jnp
import numpy as np

TRIM_RATIO = 0.1

def setup_inputs(seed: int = 0) -> dict:
    key = jax.random.key(seed)
    k1, k2 = jax.random.split(key)
    inp = jax.random.normal(k1, (4, 4096, 1024), dtype=jnp.float32)
    tgt = jax.random.normal(k2, (4, 4096, 1024), dtype=jnp.float32)
    return {"input": inp, "target": tgt}

def reference(input, target):
    errors = (input - target) ** 2
    errors_flat = errors.reshape(-1)
    errors_sorted = jnp.sort(errors_flat)
    n = errors_flat.shape[0]
    trim_count = int(n * TRIM_RATIO)
    trimmed_errors = errors_sorted[trim_count:n - trim_count]
    return jnp.mean(trimmed_errors)

if __name__ == "__main__":
    import jax
    _d = setup_inputs()
    print(jax.jit(kernel)(*tuple(_d.values())))

</pallas_src>

<mosaic_0001>
#map = affine_map<(d0, d1) -> (0, 0)>
#map1 = affine_map<(d0, d1) -> (0, 0, 0)>
module attributes {stable_mosaic.version = 14 : i64} {
  func.func @_hist_body(%arg0: i32, %arg1: i32, %arg2: memref<16384x1024xf32, #tpu.memory_space<hbm>>, %arg3: memref<16384x1024xf32, #tpu.memory_space<hbm>>, %arg4: memref<32x128x128xi32, #tpu.memory_space<hbm>>, %arg5: memref<16x1024xf32, #tpu.memory_space<vmem>>, %arg6: memref<16x1024xf32, #tpu.memory_space<vmem>>, %arg7: memref<16x1024xf32, #tpu.memory_space<vmem>>, %arg8: memref<16x1024xf32, #tpu.memory_space<vmem>>, %arg9: memref<128x128xi32, #tpu.memory_space<vmem>>, %arg10: memref<2x!tpu.dma_semaphore, #tpu.memory_space<semaphore_mem>>, %arg11: memref<2x!tpu.dma_semaphore, #tpu.memory_space<semaphore_mem>>) attributes {dimension_semantics = [#tpu.dimension_semantics<core_parallel>, #tpu.dimension_semantics<subcore_parallel>], iteration_bounds = array<i64: 2, 16>, scalar_prefetch = 0 : i64, scratch_operands = 7 : i64, tpu.core_type = #tpu.core_type<sc_vector_subcore>, window_params = [{transform_indices = #map}, {transform_indices = #map}, {transform_indices = #map1}]} {
    %mul3A = arith.constant 2 : i32
    %mul3A_0 = arith.muli %arg1, %mul3A : i32
    %add3A = arith.addi %mul3A_0, %arg0 : i32
    %mul3A_1 = arith.constant 512 : i32
    %mul3A_2 = arith.muli %add3A, %mul3A_1 : i32
    %parallel_loop3A = arith.constant 0 : i32
    %parallel_loop3A_3 = arith.constant 1024 : i32
    %parallel_loop3A_4 = arith.constant 1 : i32
    scf.for %parallel_loop3A_53 = %parallel_loop3A to %parallel_loop3A_3 step %parallel_loop3A_4  : i32 {
      %parallel_loop3A_54 = arith.constant 3 : i32
      %parallel_loop3A_55 = arith.shrui %parallel_loop3A_53, %parallel_loop3A_54 : i32
      %parallel_loop3A_56 = arith.constant 7 : i32
      %parallel_loop3A_57 = arith.andi %parallel_loop3A_53, %parallel_loop3A_56 : i32
      %parallel_loop3A_58 = arith.constant 16 : i32
      %parallel_loop3A_59 = arith.muli %parallel_loop3A_57, %parallel_loop3A_58 : i32
      %parallel_loop3A_60 = arith.constant 0 : i32
      %parallel_loop3A_61 = vector.broadcast %parallel_loop3A_60 : i32 to vector<16xi32>
      %parallel_loop3A_62 = arith.index_cast %parallel_loop3A_55 : i32 to index
      %parallel_loop3A_63 = arith.index_cast %parallel_loop3A_59 : i32 to index
      %parallel_loop3A_64 = tpu.vector_load %arg9[%parallel_loop3A_62, %parallel_loop3A_63] {strides = array<i32>} : memref<128x128xi32, #tpu.memory_space<vmem>>, vector<16xi32>,
      tpu.vector_store %arg9[%parallel_loop3A_62, %parallel_loop3A_63], %parallel_loop3A_61 {strides = array<i32>} : memref<128x128xi32, #tpu.memory_space<vmem>>, vector<16xi32>,
    } {sc.loop_unroll_factor = 8 : i64, sc.parallel_access}
    %broadcast_in_dim3A = arith.constant 1 : i32
    %broadcast_in_dim3A_5 = vector.broadcast %broadcast_in_dim3A : i32 to vector<16xi32>
    %broadcast_in_dim3A_6 = arith.constant 17 : i32
    %broadcast_in_dim3A_7 = vector.broadcast %broadcast_in_dim3A_6 : i32 to vector<16xi32>
    %broadcast_in_dim3A_8 = arith.constant 24 : i32
    %broadcast_in_dim3A_9 = vector.broadcast %broadcast_in_dim3A_8 : i32 to vector<16xi32>
    %broadcast_in_dim3A_10 = arith.constant 127 : i32
    %broadcast_in_dim3A_11 = vector.broadcast %broadcast_in_dim3A_10 : i32 to vector<16xi32>
    %add3A_12 = arith.constant 0 : i32
    %add3A_13 = arith.addi %mul3A_2, %add3A_12 : i32
    %dma_start3A = arith.constant 0 : i32
    %dma_start3A_14 = arith.constant 0 : i32
    %dma_start3A_15 = tpu.memref_slice %arg2[%add3A_13, %dma_start3A_14] : memref<16384x1024xf32, #tpu.memory_space<hbm>> -> memref<16x1024xf32, #tpu.memory_space<hbm>>
    %dma_start3A_16 = tpu.memref_slice %arg10[%dma_start3A] : memref<2x!tpu.dma_semaphore, #tpu.memory_space<semaphore_mem>> -> memref<1x!tpu.dma_semaphore, #tpu.memory_space<semaphore_mem>>
    %dma_start3A_17 = tpu.memref_squeeze %dma_start3A_16 : memref<1x!tpu.dma_semaphore, #tpu.memory_space<semaphore_mem>> -> memref<!tpu.dma_semaphore, #tpu.memory_space<semaphore_mem>>
    %dma_start3A_18 = arith.constant 0 : i32
    %dma_start3A_19 = tpu.memref_slice %arg2[%add3A_13, %dma_start3A_18] : memref<16384x1024xf32, #tpu.memory_space<hbm>> -> memref<16x1024xf32, #tpu.memory_space<hbm>>
    tpu.enqueue_dma source(%dma_start3A_19 : memref<16x1024xf32, #tpu.memory_space<hbm>>) target(%arg5 : memref<16x1024xf32, #tpu.memory_space<vmem>>) target_semaphore(%dma_start3A_17 : memref<!tpu.dma_semaphore, #tpu.memory_space<semaphore_mem>>)
    %dma_start3A_20 = arith.constant 0 : i32
    %dma_start3A_21 = arith.constant 0 : i32
    %dma_start3A_22 = tpu.memref_slice %arg3[%add3A_13, %dma_start3A_21] : memref<16384x1024xf32, #tpu.memory_space<hbm>> -> memref<16x1024xf32, #tpu.memory_space<hbm>>
    %dma_start3A_23 = tpu.memref_slice %arg11[%dma_start3A_20] : memref<2x!tpu.dma_semaphore, #tpu.memory_space<semaphore_mem>> -> memref<1x!tpu.dma_semaphore, #tpu.memory_space<semaphore_mem>>
    %dma_start3A_24 = tpu.memref_squeeze %dma_start3A_23 : memref<1x!tpu.dma_semaphore, #tpu.memory_space<semaphore_mem>> -> memref<!tpu.dma_semaphore, #tpu.memory_space<semaphore_mem>>
    %dma_start3A_25 = arith.constant 0 : i32
    %dma_start3A_26 = tpu.memref_slice %arg3[%add3A_13, %dma_start3A_25] : memref<16384x1024xf32, #tpu.memory_space<hbm>> -> memref<16x1024xf32, #tpu.memory_space<hbm>>
    tpu.enqueue_dma source(%dma_start3A_26 : memref<16x1024xf32, #tpu.memory_space<hbm>>) target(%arg7 : memref<16x1024xf32, #tpu.memory_space<vmem>>) target_semaphore(%dma_start3A_24 : memref<!tpu.dma_semaphore, #tpu.memory_space<semaphore_mem>>)
    %add3A_27 = arith.constant 16 : i32
    %add3A_28 = arith.addi %mul3A_2, %add3A_27 : i32
    %dma_start3A_29 = arith.constant 1 : i32
    %dma_start3A_30 = arith.constant 0 : i32
    %dma_start3A_31 = tpu.memref_slice %arg2[%add3A_28, %dma_start3A_30] : memref<16384x1024xf32, #tpu.memory_space<hbm>> -> memref<16x1024xf32, #tpu.memory_space<hbm>>
    %dma_start3A_32 = tpu.memref_slice %arg10[%dma_start3A_29] : memref<2x!tpu.dma_semaphore, #tpu.memory_space<semaphore_mem>> -> memref<1x!tpu.dma_semaphore, #tpu.memory_space<semaphore_mem>>
    %dma_start3A_33 = tpu.memref_squeeze %dma_start3A_32 : memref<1x!tpu.dma_semaphore, #tpu.memory_space<semaphore_mem>> -> memref<!tpu.dma_semaphore, #tpu.memory_space<semaphore_mem>>
    %dma_start3A_34 = arith.constant 0 : i32
    %dma_start3A_35 = tpu.memref_slice %arg2[%add3A_28, %dma_start3A_34] : memref<16384x1024xf32, #tpu.memory_space<hbm>> -> memref<16x1024xf32, #tpu.memory_space<hbm>>
    tpu.enqueue_dma source(%dma_start3A_35 : memref<16x1024xf32, #tpu.memory_space<hbm>>) target(%arg6 : memref<16x1024xf32, #tpu.memory_space<vmem>>) target_semaphore(%dma_start3A_33 : memref<!tpu.dma_semaphore, #tpu.memory_space<semaphore_mem>>)
    %dma_start3A_36 = arith.constant 1 : i32
    %dma_start3A_37 = arith.constant 0 : i32
    %dma_start3A_38 = tpu.memref_slice %arg3[%add3A_28, %dma_start3A_37] : memref<16384x1024xf32, #tpu.memory_space<hbm>> -> memref<16x1024xf32, #tpu.memory_space<hbm>>
    %dma_start3A_39 = tpu.memref_slice %arg11[%dma_start3A_36] : memref<2x!tpu.dma_semaphore, #tpu.memory_space<semaphore_mem>> -> memref<1x!tpu.dma_semaphore, #tpu.memory_space<semaphore_mem>>
    %dma_start3A_40 = tpu.memref_squeeze %dma_start3A_39 : memref<1x!tpu.dma_semaphore, #tpu.memory_space<semaphore_mem>> -> memref<!tpu.dma_semaphore, #tpu.memory_space<semaphore_mem>>
    %dma_start3A_41 = arith.constant 0 : i32
    %dma_start3A_42 = tpu.memref_slice %arg3[%add3A_28, %dma_start3A_41] : memref<16384x1024xf32, #tpu.memory_space<hbm>> -> memref<16x1024xf32, #tpu.memory_space<hbm>>
    tpu.enqueue_dma source(%dma_start3A_42 : memref<16x1024xf32, #tpu.memory_space<hbm>>) target(%arg8 : memref<16x1024xf32, #tpu.memory_space<vmem>>) target_semaphore(%dma_start3A_40 : memref<!tpu.dma_semaphore, #tpu.memory_space<semaphore_mem>>)
    %broadcast_in_dim3A_43 = arith.constant 0.000000e+00 : f32
    %broadcast_in_dim3A_44 = vector.broadcast %broadcast_in_dim3A_43 : f32 to vector<16xf32>
    %scan3A = arith.constant 0 : i32
    %scan3A_45 = arith.constant 16 : i32
    %scan3A_46 = arith.addi %scan3A, %scan3A_45 : i32
    %scan3A_47 = arith.constant 1 : i32
    %scan3A_48 = scf.for %scan3A_53 = %scan3A to %scan3A_46 step %scan3A_47 iter_args(%scan3A_54 = %broadcast_in_dim3A_44) -> (vector<16xf32>)  : i32 {
      %mul3A_55 = arith.constant 2 : i32
      %mul3A_56 = arith.muli %mul3A_55, %scan3A_53 : i32
      %add3A_57 = arith.constant 0 : i32
      %add3A_58 = arith.addi %mul3A_56, %add3A_57 : i32
      %mul3A_59 = arith.constant 16 : i32
      %mul3A_60 = arith.muli %add3A_58, %mul3A_59 : i32
      %add3A_61 = arith.addi %mul3A_2, %mul3A_60 : i32
      %dma_wait3A = arith.constant 0 : i32
      %dma_wait3A_62 = arith.constant 0 : i32
      %dma_wait3A_63 = tpu.memref_slice %arg2[%add3A_61, %dma_wait3A_62] : memref<16384x1024xf32, #tpu.memory_space<hbm>> -> memref<16x1024xf32, #tpu.memory_space<hbm>>
      %dma_wait3A_64 = tpu.memref_slice %arg10[%dma_wait3A] : memref<2x!tpu.dma_semaphore, #tpu.memory_space<semaphore_mem>> -> memref<1x!tpu.dma_semaphore, #tpu.memory_space<semaphore_mem>>
      %dma_wait3A_65 = tpu.memref_squeeze %dma_wait3A_64 : memref<1x!tpu.dma_semaphore, #tpu.memory_space<semaphore_mem>> -> memref<!tpu.dma_semaphore, #tpu.memory_space<semaphore_mem>>
      %dma_wait3A_66 = arith.constant 0 : i32
      %dma_wait3A_67 = tpu.memref_slice %arg2[%add3A_61, %dma_wait3A_66] : memref<16384x1024xf32, #tpu.memory_space<hbm>> -> memref<16x1024xf32, #tpu.memory_space<hbm>>
      tpu.wait_dma2 semaphore(%dma_wait3A_65 : memref<!tpu.dma_semaphore, #tpu.memory_space<semaphore_mem>>) src(%dma_wait3A_67 : memref<16x1024xf32, #tpu.memory_space<hbm>>) dst(%arg5 : memref<16x1024xf32, #tpu.memory_space<vmem>>)
      %dma_wait3A_68 = arith.constant 0 : i32
      %dma_wait3A_69 = arith.constant 0 : i32
      %dma_wait3A_70 = tpu.memref_slice %arg3[%add3A_61, %dma_wait3A_69] : memref<16384x1024xf32, #tpu.memory_space<hbm>> -> memref<16x1024xf32, #tpu.memory_space<hbm>>
      %dma_wait3A_71 = tpu.memref_slice %arg11[%dma_wait3A_68] : memref<2x!tpu.dma_semaphore, #tpu.memory_space<semaphore_mem>> -> memref<1x!tpu.dma_semaphore, #tpu.memory_space<semaphore_mem>>
      %dma_wait3A_72 = tpu.memref_squeeze %dma_wait3A_71 : memref<1x!tpu.dma_semaphore, #tpu.memory_space<semaphore_mem>> -> memref<!tpu.dma_semaphore, #tpu.memory_space<semaphore_mem>>
      %dma_wait3A_73 = arith.constant 0 : i32
      %dma_wait3A_74 = tpu.memref_slice %arg3[%add3A_61, %dma_wait3A_73] : memref<16384x1024xf32, #tpu.memory_space<hbm>> -> memref<16x1024xf32, #tpu.memory_space<hbm>>
      tpu.wait_dma2 semaphore(%dma_wait3A_72 : memref<!tpu.dma_semaphore, #tpu.memory_space<semaphore_mem>>) src(%dma_wait3A_74 : memref<16x1024xf32, #tpu.memory_space<hbm>>) dst(%arg7 : memref<16x1024xf32, #tpu.memory_space<vmem>>)
      %parallel_loop3A_75 = arith.constant 0 : i32
      %parallel_loop3A_76 = arith.constant 1024 : i32
      %parallel_loop3A_77 = arith.constant 1 : i32
      %parallel_loop3A_78 = scf.for %parallel_loop3A_115 = %parallel_loop3A_75 to %parallel_loop3A_76 step %parallel_loop3A_77 iter_args(%parallel_loop3A_116 = %scan3A_54) -> (vector<16xf32>)  : i32 {
        %parallel_loop3A_117 = arith.constant 6 : i32
        %parallel_loop3A_118 = arith.shrui %parallel_loop3A_115, %parallel_loop3A_117 : i32
        %parallel_loop3A_119 = arith.constant 63 : i32
        %parallel_loop3A_120 = arith.andi %parallel_loop3A_115, %parallel_loop3A_119 : i32
        %parallel_loop3A_121 = arith.constant 16 : i32
        %parallel_loop3A_122 = arith.muli %parallel_loop3A_120, %parallel_loop3A_121 : i32
        %parallel_loop3A_123 = arith.index_cast %parallel_loop3A_118 : i32 to index
        %parallel_loop3A_124 = arith.index_cast %parallel_loop3A_122 : i32 to index
        %parallel_loop3A_125 = tpu.vector_load %arg5[%parallel_loop3A_123, %parallel_loop3A_124] {strides = array<i32>} : memref<16x1024xf32, #tpu.memory_space<vmem>>, vector<16xf32>,
        %parallel_loop3A_126 = arith.index_cast %parallel_loop3A_118 : i32 to index
        %parallel_loop3A_127 = arith.index_cast %parallel_loop3A_122 : i32 to index
        %parallel_loop3A_128 = tpu.vector_load %arg7[%parallel_loop3A_126, %parallel_loop3A_127] {strides = array<i32>} : memref<16x1024xf32, #tpu.memory_space<vmem>>, vector<16xf32>,
        %parallel_loop3A_129 = arith.subf %parallel_loop3A_125, %parallel_loop3A_128 : vector<16xf32>
        %parallel_loop3A_130 = arith.mulf %parallel_loop3A_129, %parallel_loop3A_129 : vector<16xf32>
        %parallel_loop3A_131 = tpu.bitcast %parallel_loop3A_130 : vector<16xf32> -> vector<16xi32>
        %parallel_loop3A_132 = arith.shrui %parallel_loop3A_131, %broadcast_in_dim3A_9 : vector<16xi32>
        %parallel_loop3A_133 = arith.shrui %parallel_loop3A_131, %broadcast_in_dim3A_7 : vector<16xi32>
        %parallel_loop3A_134 = arith.andi %parallel_loop3A_133, %broadcast_in_dim3A_11 : vector<16xi32>
        tpu.vector_store_idx %arg9[%parallel_loop3A_132, %parallel_loop3A_134], %broadcast_in_dim3A_5 {add = true} : memref<128x128xi32, #tpu.memory_space<vmem>>[vector<16xi32>, vector<16xi32>], vector<16xi32>,
        %parallel_loop3A_135 = arith.addf %parallel_loop3A_116, %parallel_loop3A_130 : vector<16xf32>
        scf.yield %parallel_loop3A_135 : vector<16xf32>
      } {sc.loop_unroll_factor = 8 : i64, sc.parallel_access}
      %add3A_79 = arith.constant 2 : i32
      %add3A_80 = arith.addi %add3A_58, %add3A_79 : i32
      %lt3A = arith.constant 32 : i32
      %lt3A_81 = arith.cmpi slt, %add3A_80, %lt3A : i32
      %convert_element_type3A = arith.extui %lt3A_81 : i1 to i32
      %cond3A = arith.constant 0 : i32
      %cond3A_82 = arith.cmpi ne, %convert_element_type3A, %cond3A : i32
      scf.if %cond3A_82 {
        %add3A_115 = arith.constant 2 : i32
        %add3A_116 = arith.addi %add3A_58, %add3A_115 : i32
        %mul3A_117 = arith.constant 16 : i32
        %mul3A_118 = arith.muli %add3A_116, %mul3A_117 : i32
        %add3A_119 = arith.addi %mul3A_2, %mul3A_118 : i32
        %dma_start3A_120 = arith.constant 0 : i32
        %dma_start3A_121 = arith.constant 0 : i32
        %dma_start3A_122 = tpu.memref_slice %arg2[%add3A_119, %dma_start3A_121] : memref<16384x1024xf32, #tpu.memory_space<hbm>> -> memref<16x1024xf32, #tpu.memory_space<hbm>>
        %dma_start3A_123 = tpu.memref_slice %arg10[%dma_start3A_120] : memref<2x!tpu.dma_semaphore, #tpu.memory_space<semaphore_mem>> -> memref<1x!tpu.dma_semaphore, #tpu.memory_space<semaphore_mem>>
        %dma_start3A_124 = tpu.memref_squeeze %dma_start3A_123 : memref<1x!tpu.dma_semaphore, #tpu.memory_space<semaphore_mem>> -> memref<!tpu.dma_semaphore, #tpu.memory_space<semaphore_mem>>
        %dma_start3A_125 = arith.constant 0 : i32
        %dma_start3A_126 = tpu.memref_slice %arg2[%add3A_119, %dma_start3A_125] : memref<16384x1024xf32, #tpu.memory_space<hbm>> -> memref<16x1024xf32, #tpu.memory_space<hbm>>
        tpu.enqueue_dma source(%dma_start3A_126 : memref<16x1024xf32, #tpu.memory_space<hbm>>) target(%arg5 : memref<16x1024xf32, #tpu.memory_space<vmem>>) target_semaphore(%dma_start3A_124 : memref<!tpu.dma_semaphore, #tpu.memory_space<semaphore_mem>>)
        %dma_start3A_127 = arith.constant 0 : i32
        %dma_start3A_128 = arith.constant 0 : i32
        %dma_start3A_129 = tpu.memref_slice %arg3[%add3A_119, %dma_start3A_128] : memref<16384x1024xf32, #tpu.memory_space<hbm>> -> memref<16x1024xf32, #tpu.memory_space<hbm>>
        %dma_start3A_130 = tpu.memref_slice %arg11[%dma_start3A_127] : memref<2x!tpu.dma_semaphore, #tpu.memory_space<semaphore_mem>> -> memref<1x!tpu.dma_semaphore, #tpu.memory_space<semaphore_mem>>
        %dma_start3A_131 = tpu.memref_squeeze %dma_start3A_130 : memref<1x!tpu.dma_semaphore, #tpu.memory_space<semaphore_mem>> -> memref<!tpu.dma_semaphore, #tpu.memory_space<semaphore_mem>>
        %dma_start3A_132 = arith.constant 0 : i32
        %dma_start3A_133 = tpu.memref_slice %arg3[%add3A_119, %dma_start3A_132] : memref<16384x1024xf32, #tpu.memory_space<hbm>> -> memref<16x1024xf32, #tpu.memory_space<hbm>>
        tpu.enqueue_dma source(%dma_start3A_133 : memref<16x1024xf32, #tpu.memory_space<hbm>>) target(%arg7 : memref<16x1024xf32, #tpu.memory_space<vmem>>) target_semaphore(%dma_start3A_131 : memref<!tpu.dma_semaphore, #tpu.memory_space<semaphore_mem>>)
      } else {
      }
      %mul3A_83 = arith.constant 2 : i32
      %mul3A_84 = arith.muli %mul3A_83, %scan3A_53 : i32
      %add3A_85 = arith.constant 1 : i32
      %add3A_86 = arith.addi %mul3A_84, %add3A_85 : i32
      %mul3A_87 = arith.constant 16 : i32
      %mul3A_88 = arith.muli %add3A_86, %mul3A_87 : i32
      %add3A_89 = arith.addi %mul3A_2, %mul3A_88 : i32
      %dma_wait3A_90 = arith.constant 1 : i32
      %dma_wait3A_91 = arith.constant 0 : i32
      %dma_wait3A_92 = tpu.memref_slice %arg2[%add3A_89, %dma_wait3A_91] : memref<16384x1024xf32, #tpu.memory_space<hbm>> -> memref<16x1024xf32, #tpu.memory_space<hbm>>
      %dma_wait3A_93 = tpu.memref_slice %arg10[%dma_wait3A_90] : memref<2x!tpu.dma_semaphore, #tpu.memory_space<semaphore_mem>> -> memref<1x!tpu.dma_semaphore, #tpu.memory_space<semaphore_mem>>
      %dma_wait3A_94 = tpu.memref_squeeze %dma_wait3A_93 : memref<1x!tpu.dma_semaphore, #tpu.memory_space<semaphore_mem>> -> memref<!tpu.dma_semaphore, #tpu.memory_space<semaphore_mem>>
      %dma_wait3A_95 = arith.constant 0 : i32
      %dma_wait3A_96 = tpu.memref_slice %arg2[%add3A_89, %dma_wait3A_95] : memref<16384x1024xf32, #tpu.memory_space<hbm>> -> memref<16x1024xf32, #tpu.memory_space<hbm>>
      tpu.wait_dma2 semaphore(%dma_wait3A_94 : memref<!tpu.dma_semaphore, #tpu.memory_space<semaphore_mem>>) src(%dma_wait3A_96 : memref<16x1024xf32, #tpu.memory_space<hbm>>) dst(%arg6 : memref<16x1024xf32, #tpu.memory_space<vmem>>)
      %dma_wait3A_97 = arith.constant 1 : i32
      %dma_wait3A_98 = arith.constant 0 : i32
      %dma_wait3A_99 = tpu.memref_slice %arg3[%add3A_89, %dma_wait3A_98] : memref<16384x1024xf32, #tpu.memory_space<hbm>> -> memref<16x1024xf32, #tpu.memory_space<hbm>>
      %dma_wait3A_100 = tpu.memref_slice %arg11[%dma_wait3A_97] : memref<2x!tpu.dma_semaphore, #tpu.memory_space<semaphore_mem>> -> memref<1x!tpu.dma_semaphore, #tpu.memory_space<semaphore_mem>>
      %dma_wait3A_101 = tpu.memref_squeeze %dma_wait3A_100 : memref<1x!tpu.dma_semaphore, #tpu.memory_space<semaphore_mem>> -> memref<!tpu.dma_semaphore, #tpu.memory_space<semaphore_mem>>
      %dma_wait3A_102 = arith.constant 0 : i32
      %dma_wait3A_103 = tpu.memref_slice %arg3[%add3A_89, %dma_wait3A_102] : memref<16384x1024xf32, #tpu.memory_space<hbm>> -> memref<16x1024xf32, #tpu.memory_space<hbm>>
      tpu.wait_dma2 semaphore(%dma_wait3A_101 : memref<!tpu.dma_semaphore, #tpu.memory_space<semaphore_mem>>) src(%dma_wait3A_103 : memref<16x1024xf32, #tpu.memory_space<hbm>>) dst(%arg8 : memref<16x1024xf32, #tpu.memory_space<vmem>>)
      %parallel_loop3A_104 = arith.constant 0 : i32
      %parallel_loop3A_105 = arith.constant 1024 : i32
      %parallel_loop3A_106 = arith.constant 1 : i32
      %parallel_loop3A_107 = scf.for %parallel_loop3A_115 = %parallel_loop3A_104 to %parallel_loop3A_105 step %parallel_loop3A_106 iter_args(%parallel_loop3A_116 = %parallel_loop3A_78) -> (vector<16xf32>)  : i32 {
        %parallel_loop3A_117 = arith.constant 6 : i32
        %parallel_loop3A_118 = arith.shrui %parallel_loop3A_115, %parallel_loop3A_117 : i32
        %parallel_loop3A_119 = arith.constant 63 : i32
        %parallel_loop3A_120 = arith.andi %parallel_loop3A_115, %parallel_loop3A_119 : i32
        %parallel_loop3A_121 = arith.constant 16 : i32
        %parallel_loop3A_122 = arith.muli %parallel_loop3A_120, %parallel_loop3A_121 : i32
        %parallel_loop3A_123 = arith.index_cast %parallel_loop3A_118 : i32 to index
        %parallel_loop3A_124 = arith.index_cast %parallel_loop3A_122 : i32 to index
        %parallel_loop3A_125 = tpu.vector_load %arg6[%parallel_loop3A_123, %parallel_loop3A_124] {strides = array<i32>} : memref<16x1024xf32, #tpu.memory_space<vmem>>, vector<16xf32>,
        %parallel_loop3A_126 = arith.index_cast %parallel_loop3A_118 : i32 to index
        %parallel_loop3A_127 = arith.index_cast %parallel_loop3A_122 : i32 to index
        %parallel_loop3A_128 = tpu.vector_load %arg8[%parallel_loop3A_126, %parallel_loop3A_127] {strides = array<i32>} : memref<16x1024xf32, #tpu.memory_space<vmem>>, vector<16xf32>,
        %parallel_loop3A_129 = arith.subf %parallel_loop3A_125, %parallel_loop3A_128 : vector<16xf32>
        %parallel_loop3A_130 = arith.mulf %parallel_loop3A_129, %parallel_loop3A_129 : vector<16xf32>
        %parallel_loop3A_131 = tpu.bitcast %parallel_loop3A_130 : vector<16xf32> -> vector<16xi32>
        %parallel_loop3A_132 = arith.shrui %parallel_loop3A_131, %broadcast_in_dim3A_9 : vector<16xi32>
        %parallel_loop3A_133 = arith.shrui %parallel_loop3A_131, %broadcast_in_dim3A_7 : vector<16xi32>
        %parallel_loop3A_134 = arith.andi %parallel_loop3A_133, %broadcast_in_dim3A_11 : vector<16xi32>
        tpu.vector_store_idx %arg9[%parallel_loop3A_132, %parallel_loop3A_134], %broadcast_in_dim3A_5 {add = true} : memref<128x128xi32, #tpu.memory_space<vmem>>[vector<16xi32>, vector<16xi32>], vector<16xi32>,
        %parallel_loop3A_135 = arith.addf %parallel_loop3A_116, %parallel_loop3A_130 : vector<16xf32>
        scf.yield %parallel_loop3A_135 : vector<16xf32>
      } {sc.loop_unroll_factor = 8 : i64, sc.parallel_access}
      %add3A_108 = arith.constant 2 : i32
      %add3A_109 = arith.addi %add3A_86, %add3A_108 : i32
      %lt3A_110 = arith.constant 32 : i32
      %lt3A_111 = arith.cmpi slt, %add3A_109, %lt3A_110 : i32
      %convert_element_type3A_112 = arith.extui %lt3A_111 : i1 to i32
      %cond3A_113 = arith.constant 0 : i32
      %cond3A_114 = arith.cmpi ne, %convert_element_type3A_112, %cond3A_113 : i32
      scf.if %cond3A_114 {
        %add3A_115 = arith.constant 2 : i32
        %add3A_116 = arith.addi %add3A_86, %add3A_115 : i32
        %mul3A_117 = arith.constant 16 : i32
        %mul3A_118 = arith.muli %add3A_116, %mul3A_117 : i32
        %add3A_119 = arith.addi %mul3A_2, %mul3A_118 : i32
        %dma_start3A_120 = arith.constant 1 : i32
        %dma_start3A_121 = arith.constant 0 : i32
        %dma_start3A_122 = tpu.memref_slice %arg2[%add3A_119, %dma_start3A_121] : memref<16384x1024xf32, #tpu.memory_space<hbm>> -> memref<16x1024xf32, #tpu.memory_space<hbm>>
        %dma_start3A_123 = tpu.memref_slice %arg10[%dma_start3A_120] : memref<2x!tpu.dma_semaphore, #tpu.memory_space<semaphore_mem>> -> memref<1x!tpu.dma_semaphore, #tpu.memory_space<semaphore_mem>>
        %dma_start3A_124 = tpu.memref_squeeze %dma_start3A_123 : memref<1x!tpu.dma_semaphore, #tpu.memory_space<semaphore_mem>> -> memref<!tpu.dma_semaphore, #tpu.memory_space<semaphore_mem>>
        %dma_start3A_125 = arith.constant 0 : i32
        %dma_start3A_126 = tpu.memref_slice %arg2[%add3A_119, %dma_start3A_125] : memref<16384x1024xf32, #tpu.memory_space<hbm>> -> memref<16x1024xf32, #tpu.memory_space<hbm>>
        tpu.enqueue_dma source(%dma_start3A_126 : memref<16x1024xf32, #tpu.memory_space<hbm>>) target(%arg6 : memref<16x1024xf32, #tpu.memory_space<vmem>>) target_semaphore(%dma_start3A_124 : memref<!tpu.dma_semaphore, #tpu.memory_space<semaphore_mem>>)
        %dma_start3A_127 = arith.constant 1 : i32
        %dma_start3A_128 = arith.constant 0 : i32
        %dma_start3A_129 = tpu.memref_slice %arg3[%add3A_119, %dma_start3A_128] : memref<16384x1024xf32, #tpu.memory_space<hbm>> -> memref<16x1024xf32, #tpu.memory_space<hbm>>
        %dma_start3A_130 = tpu.memref_slice %arg11[%dma_start3A_127] : memref<2x!tpu.dma_semaphore, #tpu.memory_space<semaphore_mem>> -> memref<1x!tpu.dma_semaphore, #tpu.memory_space<semaphore_mem>>
        %dma_start3A_131 = tpu.memref_squeeze %dma_start3A_130 : memref<1x!tpu.dma_semaphore, #tpu.memory_space<semaphore_mem>> -> memref<!tpu.dma_semaphore, #tpu.memory_space<semaphore_mem>>
        %dma_start3A_132 = arith.constant 0 : i32
        %dma_start3A_133 = tpu.memref_slice %arg3[%add3A_119, %dma_start3A_132] : memref<16384x1024xf32, #tpu.memory_space<hbm>> -> memref<16x1024xf32, #tpu.memory_space<hbm>>
        tpu.enqueue_dma source(%dma_start3A_133 : memref<16x1024xf32, #tpu.memory_space<hbm>>) target(%arg8 : memref<16x1024xf32, #tpu.memory_space<vmem>>) target_semaphore(%dma_start3A_131 : memref<!tpu.dma_semaphore, #tpu.memory_space<semaphore_mem>>)
      } else {
      }
      scf.yield %parallel_loop3A_107 : vector<16xf32>
    }
    %scan3A_49 = arith.constant 16 : i32
    %bitcast_convert_type3A = tpu.bitcast %scan3A_48 : vector<16xf32> -> vector<16xi32>
    %swap3A = arith.constant 127 : i32
    %swap3A_50 = arith.index_cast %swap3A : i32 to index
    %swap3A_51 = arith.constant 112 : index
    %swap3A_52 = tpu.vector_load %arg9[%swap3A_50, %swap3A_51] {strides = array<i32>} : memref<128x128xi32, #tpu.memory_space<vmem>>, vector<16xi32>,
    tpu.vector_store %arg9[%swap3A_50, %swap3A_51], %bitcast_convert_type3A {strides = array<i32>} : memref<128x128xi32, #tpu.memory_space<vmem>>, vector<16xi32>,
    "tpu.region"() ({
      %run_scoped3A = tpu.sem_alloc : memref<!tpu.dma_semaphore, #tpu.memory_space<semaphore_mem>>
      %dma_start3A_53 = arith.constant 0 : i32
      %dma_start3A_54 = arith.constant 0 : i32
      %dma_start3A_55 = tpu.memref_slice %arg4[%add3A, %dma_start3A_53, %dma_start3A_54] : memref<32x128x128xi32, #tpu.memory_space<hbm>> -> memref<1x128x128xi32, #tpu.memory_space<hbm>>
      %dma_start3A_56 = tpu.memref_squeeze %dma_start3A_55 : memref<1x128x128xi32, #tpu.memory_space<hbm>> -> memref<128x128xi32, #tpu.memory_space<hbm>>
      %dma_start3A_57 = arith.constant 0 : i32
      %dma_start3A_58 = arith.constant 0 : i32
      %dma_start3A_59 = tpu.memref_slice %arg4[%add3A, %dma_start3A_57, %dma_start3A_58] : memref<32x128x128xi32, #tpu.memory_space<hbm>> -> memref<1x128x128xi32, #tpu.memory_space<hbm>>
      %dma_start3A_60 = tpu.memref_squeeze %dma_start3A_59 : memref<1x128x128xi32, #tpu.memory_space<hbm>> -> memref<128x128xi32, #tpu.memory_space<hbm>>
      tpu.enqueue_dma source(%arg9 : memref<128x128xi32, #tpu.memory_space<vmem>>) target(%dma_start3A_60 : memref<128x128xi32, #tpu.memory_space<hbm>>) target_semaphore(%run_scoped3A : memref<!tpu.dma_semaphore, #tpu.memory_space<semaphore_mem>>)
      %dma_wait3A = arith.constant 0 : i32
      %dma_wait3A_61 = arith.constant 0 : i32
      %dma_wait3A_62 = tpu.memref_slice %arg4[%add3A, %dma_wait3A, %dma_wait3A_61] : memref<32x128x128xi32, #tpu.memory_space<hbm>> -> memref<1x128x128xi32, #tpu.memory_space<hbm>>
      %dma_wait3A_63 = tpu.memref_squeeze %dma_wait3A_62 : memref<1x128x128xi32, #tpu.memory_space<hbm>> -> memref<128x128xi32, #tpu.memory_space<hbm>>
      %dma_wait3A_64 = arith.constant 0 : i32
      %dma_wait3A_65 = arith.constant 0 : i32
      %dma_wait3A_66 = tpu.memref_slice %arg4[%add3A, %dma_wait3A_64, %dma_wait3A_65] : memref<32x128x128xi32, #tpu.memory_space<hbm>> -> memref<1x128x128xi32, #tpu.memory_space<hbm>>
      %dma_wait3A_67 = tpu.memref_squeeze %dma_wait3A_66 : memref<1x128x128xi32, #tpu.memory_space<hbm>> -> memref<128x128xi32, #tpu.memory_space<hbm>>
      tpu.wait_dma2 semaphore(%run_scoped3A : memref<!tpu.dma_semaphore, #tpu.memory_space<semaphore_mem>>) src(%arg9 : memref<128x128xi32, #tpu.memory_space<vmem>>) dst(%dma_wait3A_67 : memref<128x128xi32, #tpu.memory_space<hbm>>)
      tpu.yield
    }) : () -> ()
    return
  }
}

module attributes {stable_mosaic.version = 14 : i64} {
  func.func @_select_body(%arg0: memref<32x128x128xi32, #tpu.memory_space<vmem>>, %arg1: memref<1x1xf32, #tpu.memory_space<smem>>) attributes {dimension_semantics = [], scalar_prefetch = 0 : i64, scratch_operands = 0 : i64, tpu.core_type = #tpu.core_type<tc>} {
    %get3A = arith.constant 0 : index
    %get3A_0 = arith.constant 0 : index
    %get3A_1 = arith.constant 0 : index
    %get3A_2 = vector.load %arg0[%get3A, %get3A_0, %get3A_1] : memref<32x128x128xi32, #tpu.memory_space<vmem>>, vector<32x128x128xi32>
    %iota3A = tpu.iota {dimensions = array<i32: 0>} : vector<128x128xi32>
    %iota3A_3 = tpu.iota {dimensions = array<i32: 1>} : vector<128x128xi32>
    %eq3A = arith.constant 127 : i32
    %eq3A_4 = vector.broadcast %eq3A : i32 to vector<128x128xi32>
    %eq3A_5 = arith.cmpi eq, %iota3A, %eq3A_4 : vector<128x128xi32>
    %ge3A = arith.constant 112 : i32
    %ge3A_6 = vector.broadcast %ge3A : i32 to vector<128x128xi32>
    %ge3A_7 = arith.cmpi sge, %iota3A_3, %ge3A_6 : vector<128x128xi32>
    %and3A = arith.andi %eq3A_5, %ge3A_7 : vector<128x128xi1>
    %broadcast_in_dim3A = vector.shape_cast %and3A : vector<128x128xi1> to vector<1x128x128xi1>
    %bitcast_convert_type3A = tpu.bitcast %get3A_2 : vector<32x128x128xi32> -> vector<32x128x128xf32>
    %jit3A = arith.constant 0.000000e+00 : f32
    %broadcast_in_dim3A_8 = vector.shape_cast %broadcast_in_dim3A : vector<1x128x128xi1> to vector<1x128x128xi1>
    %broadcast_in_dim3A_9 = vector.broadcast %broadcast_in_dim3A_8 : vector<1x128x128xi1> to vector<32x128x128xi1>
    %broadcast_in_dim3A_10 = vector.broadcast %jit3A : f32 to vector<32x128x128xf32>
    %select_n3A = arith.select %broadcast_in_dim3A_9, %bitcast_convert_type3A, %broadcast_in_dim3A_10 : vector<32x128x128xi1>, vector<32x128x128xf32>
    %reduce_sum3A = vector.shape_cast %select_n3A : vector<32x128x128xf32> to vector<1x32x128x128xf32>
    %reduce_sum3A_11 = arith.constant dense<0.000000e+00> : vector<1xf32>
    %reduce_sum3A_12 = vector.multi_reduction <add>, %reduce_sum3A, %reduce_sum3A_11 [1, 2, 3] : vector<1x32x128x128xf32> to vector<1xf32>
    %reduce_sum3A_13 = vector.shape_cast %reduce_sum3A_12 : vector<1xf32> to vector<1x1x1x1xf32>
    %reduce_sum3A_14 = vector.extract %reduce_sum3A_13[0, 0, 0, 0] : f32 from vector<1x1x1x1xf32>
    %convert_element_type3A = arith.sitofp %get3A_2 : vector<32x128x128xi32> to vector<32x128x128xf32>
    %reduce_sum3A_15 = arith.constant dense<0.000000e+00> : vector<128x128xf32>
    %reduce_sum3A_16 = vector.multi_reduction <add>, %convert_element_type3A, %reduce_sum3A_15 [0] : vector<32x128x128xf32> to vector<128x128xf32>
    %jit3A_17 = arith.constant 0.000000e+00 : f32
    %broadcast_in_dim3A_18 = vector.broadcast %jit3A_17 : f32 to vector<128x128xf32>
    %select_n3A_19 = arith.select %and3A, %broadcast_in_dim3A_18, %reduce_sum3A_16 : vector<128x128xi1>, vector<128x128xf32>
    %mul3A = arith.constant 128 : i32
    %mul3A_20 = vector.broadcast %mul3A : i32 to vector<128x128xi32>
    %mul3A_21 = arith.muli %iota3A, %mul3A_20 : vector<128x128xi32>
    %add3A = arith.addi %mul3A_21, %iota3A_3 : vector<128x128xi32>
    %mul3A_22 = arith.constant 131072 : i32
    %mul3A_23 = vector.broadcast %mul3A_22 : i32 to vector<128x128xi32>
    %mul3A_24 = arith.muli %add3A, %mul3A_23 : vector<128x128xi32>
    %add3A_25 = arith.constant 65536 : i32
    %add3A_26 = vector.broadcast %add3A_25 : i32 to vector<128x128xi32>
    %add3A_27 = arith.addi %mul3A_24, %add3A_26 : vector<128x128xi32>
    %bitcast_convert_type3A_28 = tpu.bitcast %add3A_27 : vector<128x128xi32> -> vector<128x128xf32>
    %is_finite3A = tpu.weird %bitcast_convert_type3A_28 : vector<128x128xf32> -> vector<128x128xi1>
    %is_finite3A_29 = arith.constant dense<true> : vector<128x128xi1>
    %is_finite3A_30 = arith.xori %is_finite3A, %is_finite3A_29 : vector<128x128xi1>
    %jit3A_31 = arith.constant 0.000000e+00 : f32
    %broadcast_in_dim3A_32 = vector.broadcast %jit3A_31 : f32 to vector<128x128xf32>
    %select_n3A_33 = arith.select %is_finite3A_30, %bitcast_convert_type3A_28, %broadcast_in_dim3A_32 : vector<128x128xi1>, vector<128x128xf32>
    %mul3A_34 = arith.mulf %select_n3A_19, %select_n3A_33 : vector<128x128xf32>
    %iota3A_35 = tpu.iota {dimensions = array<i32: 0>} : vector<128x128xi32>
    %iota3A_36 = tpu.iota {dimensions = array<i32: 1>} : vector<128x128xi32>
    %le3A = arith.cmpi sle, %iota3A_35, %iota3A_36 : vector<128x128xi32>
    %convert_element_type3A_37 = arith.extui %le3A : vector<128x128xi1> to vector<128x128xi32>
    %convert_element_type3A_38 = arith.sitofp %convert_element_type3A_37 : vector<128x128xi32> to vector<128x128xf32>
    %dot_general3A = arith.constant dense<0.000000e+00> : vector<128x128xf32>
    %dot_general3A_39 = tpu.matmul %select_n3A_19, %convert_element_type3A_38, %dot_general3A {dimension_numbers = #tpu.dot_dimension_numbers<[1], [0], [0], [1], [0, 0, 1, 1], [], []>, precision = #tpu.contract_precision<fp32>, transpose_lhs_hint = false} : vector<128x128xf32>, vector<128x128xf32>, vector<128x128xf32> -> vector<128x128xf32>
    %iota3A_40 = tpu.iota {dimensions = array<i32: 0>} : vector<128x128xi32>
    %iota3A_41 = tpu.iota {dimensions = array<i32: 1>} : vector<128x128xi32>
    %lt3A = arith.cmpi slt, %iota3A_41, %iota3A_40 : vector<128x128xi32>
    %convert_element_type3A_42 = arith.extui %lt3A : vector<128x128xi1> to vector<128x128xi32>
    %convert_element_type3A_43 = arith.sitofp %convert_element_type3A_42 : vector<128x128xi32> to vector<128x128xf32>
    %reduce_sum3A_44 = arith.constant dense<0.000000e+00> : vector<128xf32>
    %reduce_sum3A_45 = vector.multi_reduction <add>, %select_n3A_19, %reduce_sum3A_44 [1] : vector<128x128xf32> to vector<128xf32>
    %broadcast_in_dim3A_46 = vector.shape_cast %reduce_sum3A_45 : vector<128xf32> to vector<128x1xf32>
    %dot_general3A_47 = arith.constant dense<0.000000e+00> : vector<128x1xf32>
    %dot_general3A_48 = tpu.matmul %convert_element_type3A_43, %broadcast_in_dim3A_46, %dot_general3A_47 {dimension_numbers = #tpu.dot_dimension_numbers<[1], [0], [0], [1], [0, 0, 1, 1], [], []>, precision = #tpu.contract_precision<fp32>, transpose_lhs_hint = false} : vector<128x128xf32>, vector<128x1xf32>, vector<128x1xf32> -> vector<128x1xf32>
    %add3A_49 = vector.broadcast %dot_general3A_48 : vector<128x1xf32> to vector<128x128xf32>
    %add3A_50 = arith.addf %dot_general3A_39, %add3A_49 : vector<128x128xf32>
    %sub3A = arith.subf %add3A_50, %select_n3A_19 : vector<128x128xf32>
    %broadcast_in_dim3A_51 = arith.constant 0.000000e+00 : f32
    %broadcast_in_dim3A_52 = vector.broadcast %broadcast_in_dim3A_51 : f32 to vector<128x128xf32>
    %le3A_53 = arith.constant 0x49CCCCC8 : f32
    %le3A_54 = vector.broadcast %le3A_53 : f32 to vector<128x128xf32>
    %le3A_55 = arith.cmpf ole, %add3A_50, %le3A_54 : vector<128x128xf32>
    %select_n3A_56 = arith.select %le3A_55, %mul3A_34, %broadcast_in_dim3A_52 : vector<128x128xi1>, vector<128x128xf32>
    %reduce_sum3A_57 = vector.shape_cast %select_n3A_56 : vector<128x128xf32> to vector<1x128x128xf32>
    %reduce_sum3A_58 = arith.constant dense<0.000000e+00> : vector<1xf32>
    %reduce_sum3A_59 = vector.multi_reduction <add>, %reduce_sum3A_57, %reduce_sum3A_58 [1, 2] : vector<1x128x128xf32> to vector<1xf32>
    %reduce_sum3A_60 = vector.shape_cast %reduce_sum3A_59 : vector<1xf32> to vector<1x1x1xf32>
    %reduce_sum3A_61 = vector.extract %reduce_sum3A_60[0, 0, 0] : f32 from vector<1x1x1xf32>
    %lt3A_62 = arith.constant 0x49CCCCC8 : f32
    %lt3A_63 = vector.broadcast %lt3A_62 : f32 to vector<128x128xf32>
    %lt3A_64 = arith.cmpf olt, %sub3A, %lt3A_63 : vector<128x128xf32>
    %gt3A = arith.constant 0x49CCCCC8 : f32
    %gt3A_65 = vector.broadcast %gt3A : f32 to vector<128x128xf32>
    %gt3A_66 = arith.cmpf ogt, %add3A_50, %gt3A_65 : vector<128x128xf32>
    %and3A_67 = arith.andi %lt3A_64, %gt3A_66 : vector<128x128xi1>
    %select_n3A_68 = arith.select %and3A_67, %sub3A, %broadcast_in_dim3A_52 : vector<128x128xi1>, vector<128x128xf32>
    %reduce_sum3A_69 = vector.shape_cast %select_n3A_68 : vector<128x128xf32> to vector<1x128x128xf32>
    %reduce_sum3A_70 = arith.constant dense<0.000000e+00> : vector<1xf32>
    %reduce_sum3A_71 = vector.multi_reduction <add>, %reduce_sum3A_69, %reduce_sum3A_70 [1, 2] : vector<1x128x128xf32> to vector<1xf32>
    %reduce_sum3A_72 = vector.shape_cast %reduce_sum3A_71 : vector<1xf32> to vector<1x1x1xf32>
    %reduce_sum3A_73 = vector.extract %reduce_sum3A_72[0, 0, 0] : f32 from vector<1x1x1xf32>
    %select_n3A_74 = arith.select %and3A_67, %select_n3A_33, %broadcast_in_dim3A_52 : vector<128x128xi1>, vector<128x128xf32>
    %reduce_sum3A_75 = vector.shape_cast %select_n3A_74 : vector<128x128xf32> to vector<1x128x128xf32>
    %reduce_sum3A_76 = arith.constant dense<0.000000e+00> : vector<1xf32>
    %reduce_sum3A_77 = vector.multi_reduction <add>, %reduce_sum3A_75, %reduce_sum3A_76 [1, 2] : vector<1x128x128xf32> to vector<1xf32>
    %reduce_sum3A_78 = vector.shape_cast %reduce_sum3A_77 : vector<1xf32> to vector<1x1x1xf32>
    %reduce_sum3A_79 = vector.extract %reduce_sum3A_78[0, 0, 0] : f32 from vector<1x1x1xf32>
    %sub3A_80 = arith.constant 0x49CCCCC8 : f32
    %sub3A_81 = arith.subf %sub3A_80, %reduce_sum3A_73 : f32
    %mul3A_82 = arith.mulf %sub3A_81, %reduce_sum3A_79 : f32
    %add3A_83 = arith.addf %reduce_sum3A_61, %mul3A_82 : f32
    %ge3A_84 = arith.constant 0x4B666667 : f32
    %ge3A_85 = vector.broadcast %ge3A_84 : f32 to vector<128x128xf32>
    %ge3A_86 = arith.cmpf oge, %sub3A, %ge3A_85 : vector<128x128xf32>
    %select_n3A_87 = arith.select %ge3A_86, %mul3A_34, %broadcast_in_dim3A_52 : vector<128x128xi1>, vector<128x128xf32>
    %reduce_sum3A_88 = vector.shape_cast %select_n3A_87 : vector<128x128xf32> to vector<1x128x128xf32>
    %reduce_sum3A_89 = arith.constant dense<0.000000e+00> : vector<1xf32>
    %reduce_sum3A_90 = vector.multi_reduction <add>, %reduce_sum3A_88, %reduce_sum3A_89 [1, 2] : vector<1x128x128xf32> to vector<1xf32>
    %reduce_sum3A_91 = vector.shape_cast %reduce_sum3A_90 : vector<1xf32> to vector<1x1x1xf32>
    %reduce_sum3A_92 = vector.extract %reduce_sum3A_91[0, 0, 0] : f32 from vector<1x1x1xf32>
    %lt3A_93 = arith.constant 0x4B666667 : f32
    %lt3A_94 = vector.broadcast %lt3A_93 : f32 to vector<128x128xf32>
    %lt3A_95 = arith.cmpf olt, %sub3A, %lt3A_94 : vector<128x128xf32>
    %gt3A_96 = arith.constant 0x4B666667 : f32
    %gt3A_97 = vector.broadcast %gt3A_96 : f32 to vector<128x128xf32>
    %gt3A_98 = arith.cmpf ogt, %add3A_50, %gt3A_97 : vector<128x128xf32>
    %and3A_99 = arith.andi %lt3A_95, %gt3A_98 : vector<128x128xi1>
    %select_n3A_100 = arith.select %and3A_99, %add3A_50, %broadcast_in_dim3A_52 : vector<128x128xi1>, vector<128x128xf32>
    %reduce_sum3A_101 = vector.shape_cast %select_n3A_100 : vector<128x128xf32> to vector<1x128x128xf32>
    %reduce_sum3A_102 = arith.constant dense<0.000000e+00> : vector<1xf32>
    %reduce_sum3A_103 = vector.multi_reduction <add>, %reduce_sum3A_101, %reduce_sum3A_102 [1, 2] : vector<1x128x128xf32> to vector<1xf32>
    %reduce_sum3A_104 = vector.shape_cast %reduce_sum3A_103 : vector<1xf32> to vector<1x1x1xf32>
    %reduce_sum3A_105 = vector.extract %reduce_sum3A_104[0, 0, 0] : f32 from vector<1x1x1xf32>
    %select_n3A_106 = arith.select %and3A_99, %select_n3A_33, %broadcast_in_dim3A_52 : vector<128x128xi1>, vector<128x128xf32>
    %reduce_sum3A_107 = vector.shape_cast %select_n3A_106 : vector<128x128xf32> to vector<1x128x128xf32>
    %reduce_sum3A_108 = arith.constant dense<0.000000e+00> : vector<1xf32>
    %reduce_sum3A_109 = vector.multi_reduction <add>, %reduce_sum3A_107, %reduce_sum3A_108 [1, 2] : vector<1x128x128xf32> to vector<1xf32>
    %reduce_sum3A_110 = vector.shape_cast %reduce_sum3A_109 : vector<1xf32> to vector<1x1x1xf32>
    %reduce_sum3A_111 = vector.extract %reduce_sum3A_110[0, 0, 0] : f32 from vector<1x1x1xf32>
    %sub3A_112 = arith.constant 0x4B666667 : f32
    %sub3A_113 = arith.subf %reduce_sum3A_105, %sub3A_112 : f32
    %mul3A_114 = arith.mulf %sub3A_113, %reduce_sum3A_111 : f32
    %add3A_115 = arith.addf %reduce_sum3A_92, %mul3A_114 : f32
    %sub3A_116 = arith.subf %reduce_sum3A_14, %add3A_83 : f32
    %sub3A_117 = arith.subf %sub3A_116, %add3A_115 : f32
    %div3A = arith.constant 0x4B4CCCCE : f32
    %div3A_118 = arith.divf %sub3A_117, %div3A : f32
    %swap3A = arith.constant 0 : index
    %swap3A_119 = arith.constant 0 : index
    %swap3A_120 = memref.load %arg1[%swap3A, %swap3A_119] : memref<1x1xf32, #tpu.memory_space<smem>>
    memref.store %div3A_118, %arg1[%swap3A, %swap3A_119] : memref<1x1xf32, #tpu.memory_space<smem>>
    return
  }
}

</mosaic_0001>

<sc_bundles>
// kernel: kernel.4.cloned.1.call-start
scs
__scs_entry_jumppad:
0x0: {  	(pc) =	sbr.rel $0x88, $3  }
0x1: {  	(tag) =	ssettag $0x0;
	lr =	simm.s32 $0x1  }
0x2: {  	[smem:$0x3F9F] =	sst lr;
	_ =	strace $0xD0000000  }
0x3: {  	_ = 	snop  }
0x4: {  	_ = 	snop  }
0x5: {  	_ = 	snop  }
0x6: {  	_ = 	snop  }
0x7: {  	_ = 	snop  }
__scs_overlays_trampoline_lowered:
0x8: {  	[smem:$0x3FAE] =	sst s0  }
0x9: {  	[smem:$0x3FAF] =	sst s1  }
0xa: {  	[smem:$0x3FB0] =	sst s2  }
0xb: {  	[smem:$0x3FB1] =	sst s3  }
0xc: {  	[smem:$0x3FB2] =	sst s4  }
0xd: {  	[smem:$0x3FB3] =	sst s5  }
0xe: {  	[smem:$0x3FB4] =	sst s6  }
0xf: {  	[smem:$0x3FB5] =	sst s7  }
0x10: {  	[smem:$0x3FB6] =	sst s8  }
0x11: {  	[smem:$0x3FB7] =	sst s9;
	s0 =	simm.s32 @!p0 $0x0  }
0x12: {  	s1 =	sld [smem:$0x3F9D];
	s0 =	simm.s32 @p0 $0x1  }
0x13: {  	[smem:$0x3FB8] =	sst s0;
	s0 =	simm.s32 @!p1 $0x0  }
0x14: {  	s2 =	sld [smem:$0x3F9C];
	s0 =	simm.s32 @p1 $0x1  }
0x15: {  	[smem:$0x3FB9] =	sst s0;
	s0 =	simm.s32 @!p2 $0x0  }
0x16: {  	s3 =	sld [smem:$0x3FDB];
	s0 =	simm.s32 @p2 $0x1  }
0x17: {  	s4 =	simm.s32 $0x1BF5;
	[smem:$0x3FBB] =	sst s0  }
0x18: {  	s0 =	sld [smem:$0x3F9E];
	_ =	swait.ge [sflag:s4], $0x0  }
0x19: {  	s7 =	sld [smem:$0x3F9F]  }
0x1a: {  	s8 =	sadd.s32 $0xFFFFE003, lr  }
0x1b: {  	s9 =	sadd.s32 $0xFFFFFEF7, lr;
	s5 =	simm.s32 $0xFFFFFFFF;
	p2 =	slt.u32 s8, $0xFFFFF086  }
0x1c: {  	p1 =	slt.u32 s9, $0xF7A;
	s5 =	simm.s32 @!p2 $0x0  }
0x1d: {  	s5 =	simm.s32 @p1 $0x1;
	p0 =	seq.s32 s7, s2  }
0x1e: {  	s7 =	smul.u32 @!p0 $0xF7A, s2;
	p2 =	seq.s32 @!p0 s5, $0x0  }
0x1f: {  	s9 =	smul.u32 $0xF7A, s1;
	s8 =	simm.s32 @!p0 $0x1BF5;
	p2 =	por !p2, p0  }
0x20: {  	[sflag:s8] =	ssyncset.s32 @!p0 $0xFFFFF086;
	s6 =	sadd.s32 @!p0 s3, s7;
	s7 =	simm.s32 @!p0 $0x108  }
0x21: {  	s3 =	sadd.s32 s3, s9;
	s6 =	sadd.s32 @!p0 $0x88, s6;
	s7 =	simm.s32 @p2 $0x1082  }
0x22: {  	[simem:s7], [sflag:s8] =	dma.local @!p0 [hbm:s6], $0xF7A  }
0x23: {  	s9 =	sor.u32 $0xD0000000, s2;
	s6 =	simm.s32 $0x108;
	_ =	swait.ge @!p0 [sflag:s8], $0x0  }
0x24: {  	s3 =	sadd.s32 $0x88, s3;
	s6 =	simm.s32 @!p1 $0x1082;
	[sflag:s4] =	ssyncset.s32 $0xFFFFF086  }
0x25: {  	[simem:s6], [sflag:s4] =	dma.local [hbm:s3], $0xF7A  }
0x26: {  	[smem:$0x3F9F] =	sst s1;
	(tag) =	ssettag s2;
	_ =	strace s9  }
0x27: {  	s1 =	sld [smem:$0x3FAF]  }
0x28: {  	s2 =	sld [smem:$0x3FB0]  }
0x29: {  	s4 =	sld [smem:$0x3FB2]  }
0x2a: {  	p0 =	seq.s32 s5, $0x0;
	s5 =	sld [smem:$0x3FB3]  }
0x2b: {  	s6 =	sld [smem:$0x3FB4]  }
0x2c: {  	s7 =	sld [smem:$0x3FB5]  }
0x2d: {  	s3 =	simm.s32 $0x108;
	s8 =	sld [smem:$0x3FB6]  }
0x2e: {  	s3 =	simm.s32 @!p0 $0x1082;
	s9 =	sld [smem:$0x3FB7]  }
0x2f: {  	lr =	sadd.s32 s0, s3;
	s0 =	sld [smem:$0x3FAE]  }
0x30: {  	s3 =	sld [smem:$0x3FB1]  }
0x31: {  	[smem:$0x3FBA] =	sst s10  }
0x32: {  	s10 =	sld [smem:$0x3FB8];
	_ =	sdelay $0x3  }
0x33: {  	p0 =	seq.s32 s10, $0x1;
	s10 =	sld [smem:$0x3FBA];
	_ =	sdelay $0x3  }
0x34: {  	[smem:$0x3FBA] =	sst s10  }
0x35: {  	s10 =	sld [smem:$0x3FB9];
	_ =	sdelay $0x3  }
0x36: {  	p1 =	seq.s32 s10, $0x1;
	s10 =	sld [smem:$0x3FBA];
	_ =	sdelay $0x3  }
0x37: {  	[smem:$0x3FBA] =	sst s10  }
0x38: {  	s10 =	sld [smem:$0x3FBB]  }
0x39: {  	_ = 	snop;
	(pc) =	sbr.ind lr, $3  }
0x3a: {  	_ = 	snop  }
0x3b: {  	_ = 	snop  }
0x3c: {  	p2 =	seq.s32 s10, $0x1;
	s10 =	sld [smem:$0x3FBA]  }
0x3d: {  	_ =	shalt  }
0x3e: {  	_ =	shalt  }
0x3f: {  	_ =	shalt  }
0x40: {  	_ =	shalt  }
0x41: {  	_ =	shalt  }
0x42: {  	_ =	shalt  }
0x43: {  	_ =	shalt  }
0x44: {  	_ =	shalt  }
0x45: {  	_ =	shalt  }
0x46: {  	_ =	shalt  }
0x47: {  	_ =	shalt  }
0x48: {  	_ =	shalt  }
0x49: {  	_ =	shalt  }
0x4a: {  	_ =	shalt  }
0x4b: {  	_ =	shalt  }
0x4c: {  	_ =	shalt  }
0x4d: {  	_ =	shalt  }
0x4e: {  	_ =	shalt  }
0x4f: {  	_ =	shalt  }
0x50: {  	_ =	shalt  }
0x51: {  	_ =	shalt  }
0x52: {  	_ =	shalt  }
0x53: {  	_ =	shalt  }
0x54: {  	_ =	shalt  }
0x55: {  	_ =	shalt  }
0x56: {  	_ =	shalt  }
0x57: {  	_ =	shalt  }
0x58: {  	_ =	shalt  }
0x59: {  	_ =	shalt  }
0x5a: {  	_ =	shalt  }
0x5b: {  	_ =	shalt  }
0x5c: {  	_ =	shalt  }
0x5d: {  	_ =	shalt  }
0x5e: {  	_ =	shalt  }
0x5f: {  	_ =	shalt  }
0x60: {  	_ =	shalt  }
0x61: {  	_ =	shalt  }
0x62: {  	_ =	shalt  }
0x63: {  	_ =	shalt  }
0x64: {  	_ =	shalt  }
0x65: {  	_ =	shalt  }
0x66: {  	_ =	shalt  }
0x67: {  	_ =	shalt  }
0x68: {  	_ =	shalt  }
0x69: {  	_ =	shalt  }
0x6a: {  	_ =	shalt  }
0x6b: {  	_ =	shalt  }
0x6c: {  	_ =	shalt  }
0x6d: {  	_ =	shalt  }
0x6e: {  	_ =	shalt  }
0x6f: {  	_ =	shalt  }
0x70: {  	_ =	shalt  }
0x71: {  	_ =	shalt  }
0x72: {  	_ =	shalt  }
0x73: {  	_ =	shalt  }
0x74: {  	_ =	shalt  }
0x75: {  	_ =	shalt  }
0x76: {  	_ =	shalt  }
0x77: {  	_ =	shalt  }
0x78: {  	_ =	shalt  }
0x79: {  	_ =	shalt  }
0x7a: {  	_ =	shalt  }
0x7b: {  	_ =	shalt  }
0x7c: {  	_ =	shalt  }
0x7d: {  	_ =	shalt  }
0x7e: {  	_ =	shalt  }
0x7f: {  	_ =	shalt  }
0x80: {  	_ =	shalt  }
0x81: {  	_ =	shalt  }
0x82: {  	_ =	shalt  }
0x83: {  	_ =	shalt  }
0x84: {  	_ =	shalt  }
0x85: {  	_ =	shalt  }
0x86: {  	_ =	shalt  }
0x87: {  	_ =	shalt  }
.Lfunc_end0:
.L_simem_size_0:
called_computation_lowered:
.L_overlay_start_0:
0x88: {  	s2 =	sld [smem:$0x3FD9]  }
0x89: {  	s3 =	sld [smem:$0x3FFE];
	_ =	sdelay $0x1  }
0x8a: {  	s1 =	srdreg.scid  }
0x8b: {  	s0 =	sand.u32 $0x1, s1  }
0x8c: {  	s17 =	sshll.u32 s0, $0xA;
	s2 =	sadd.s32 s3, s2  }
0x8d: {  	s2 =	sadd.s32 s2, s17  }
0x8e: {  	[smem:$0x3FC6] =	sst s2  }
0x8f: {  	_ = 	snop  }
0x90: {  	s2 =	sld [smem:$0x3FC9]  }
0x91: {  	s18 =	sld [smem:$0x3FC8];
	(tm) =	ssettm $0x1  }
0x92: {  	s4 =	sld [smem:$0x3FFB];
	_ =	sdelay $0x3  }
0x93: {  	_ =	strace s4  }
0x94: {  	s4 =	sld [smem:$0x3FFC];
	_ =	sdelay $0x3  }
0x95: {  	_ =	strace s4  }
0x96: {  	s4 =	sld [smem:$0x3FFD];
	_ =	sdelay $0x3  }
0x97: {  	_ =	strace s4  }
0x98: {  	_ =	strace $0x8FFFFFFF  }
0x99: {  	s19 =	sld [smem:$0x3FDB];
	_ =	sdelay $0x1  }
0x9a: {  	s5 =	simm.s32 $_scs_section_size  }
0x9b: {  	s6 =	simm.s32 $_size__tile_overlayer_lowered;
	s7 =	simm.s32 $_tile_overlayer_lowered  }
0x9c: {  	s22 =	simm.s32 $0x1BFF;
	s21 =	sshll.u32 s7, $0x1;
	s4 =	sadd.s32 s5, s19  }
0x9d: {  	s8 =	simm.s32 $0x0;
	s20 =	sshll.u32 s6, $0x1;
	s6 =	sadd.s32 s21, s4  }
0x9e: {  	[timem:s8], [sflag:s22] =	dma.local [hbm:s6], s20  }
0x9f: {  	_ =	swait.ge [sflag:s22], s20  }
0xa0: {  	s5 =	ssub.s32 $0x0, s20;
	[sflag:s22] =	ssyncset.done $0x0  }
0xa1: {  	[sflag:s22] =	ssyncadd.s32 s5;
	_ =	sdelay $0x1  }
0xa2: {  	s23 =	simm.s32 $0x1B8B  }
0xa3: {  	_ =	swait.ge [sflag:s23], $0x1  }
0xa4: {  	[sflag:s23] =	ssyncset.done $0x0  }
0xa5: {  	s25 =	simm.s32 $0x1B8E;
	s24 =	sld [smem:$0x3FFE];
	[sflag:s23] =	ssyncadd.s32 $0xFFFFFFFF  }
0xa6: {  	s26 =	simm.s32 $execute0_lowered;
	[smem:$0x3FD2] =	sst s25  }
0xa7: {  	s6 =	sshll.u32 s26, $0x1;
	_ =	strace $0x80000046;
	[dreg:$0x1] =	wrdreg $0xFFFFFFFF  }
0xa8: {  	s28 =	simm.s32 $_size_execute0_lowered;
	s4 =	sadd.s32 s4, s6;
	[dreg:$0x0] =	wrdreg $0x0  }
0xa9: {  	s6 =	sshll.u32 s28, $0x1;
	[dreg:$0x2] =	wrdreg s4  }
0xaa: {  	[dreg:$0x3] =	wrdreg s6  }
0xab: {  	[dreg:$0x4] =	wrdreg $0xC0  }
0xac: {  	_ =	task [dreg:s8], $0x5FFFF  }
0xad: {  	[dreg:$0x1] =	wrdreg $0xFFFFFFFF  }
0xae: {  	[dreg:$0x0] =	wrdreg $0x60  }
0xaf: {  	[dreg:$0x2] =	wrdreg s2  }
0xb0: {  	[dreg:$0x3] =	wrdreg s18  }
0xb1: {  	[dreg:$0x4] =	wrdreg s24  }
0xb2: {  	[dreg:$0x5] =	wrdreg $0x9  }
0xb3: {  	_ =	task.clear_ibuf [dreg:s8], $0x6FFFF;
	_ =	strace $0x90000046  }
0xb4: {  	s29 =	simm.s32 $0x9;
	_ =	strace $0x80000048  }
0xb5: {  	_ =	swait.ge [sflag:s29], $0x1  }
0xb6: {  	[sflag:s29] =	ssyncadd.s32 $0xFFFFFFFF  }
0xb7: {  	_ =	strace $0x90000048  }
0xb8: {  	_ =	sfence  }
0xb9: {  	s30 =	sld [smem:$0x0];
	_ =	sdelay $0x2  }
0xba: {  	s31 =	sshll.u32 s1, $0xD;
	s1 =	sshrl.u32 s1, $0x2  }
0xbb: {  	s3 =	sand.u32 $0x4000, s31;
	s1 =	sadd.s32 s1, s30  }
0xbc: {  	s0 =	sor.u32 s3, s0;
	s1 =	sshll.u32 s1, $0x11  }
0xbd: {  	s0 =	sor.u32 s1, s0  }
0xbe: {  	s0 =	sadd.s32 $0x8F2B, s0  }
0xbf: {  	[sflag:s0] =	ssyncadd.remote.s32 $0x1  }
0xc0: {  	_ =	sfence.sel $0xFFFF  }
0xc1: {  	[dreg:$0x0] =	wrdreg $0xFFFFFFFF;
	(pc) =	sbr.abs _section_cstart, $3  }
0xc2: {  	[dreg:$0x1] =	wrdreg $0xFFFFFFFF  }
0xc3: {  	_ =	task.clear_ibuf [dreg:s8], $0x2FFFF;
	_ =	strace $0x9FFFFFFF  }
0xc4: {  	(tm) =	ssettm $0x7FFFFFFF  }
0xc5: {  	_ =	shalt  }
tec
execute0_lowered:
.L_overlay_start_1:
0x0: {  	(tag) =	ssettag $0x1  }
0x1: {  	s1 =	rddreg [dreg:$0x0]  }
0x2: {  	s2 =	rddreg [dreg:$0x1]  }
0x3: {  	s5 =	rddreg [dreg:$0x2];
	s4 =	simm.s32 $0x0  }
0x4: {  	s6 =	srdreg.scid;
	s3 =	stileid.u32;
	s13 =	simm.s32 $0x8000  }
0x5: {  	s14 =	simm.s32 $0x4000;
	s15 =	simm.s32 $0xC000;
	s16 =	simm.s32 $0x1  }
0x6: {  	s17 =	simm.s32 $0x3;
	s18 =	simm.s32 $0x10000;
	s19 =	simm.s32 $0x2  }
0x7: {  	s20 =	simm.s32 $0x4;
	s21 =	simm.s32 $0x5;
	s22 =	simm.s32 $0x0  }
0x8: {  	[smem:$0x7FF] =	sst s4;
	s6 =	sand.u32 $0x1, s6;
	s7 =	sshll.u32 s3, $0x1  }
0x9: {  	_ =	strace $0x80000047;
	s7 =	sor.u32 s6, s7;
	s6 =	ssub.s32 $0x2, s6  }
.Ltmp0:
0xa: {  	s8 =	sshll.u32 s7, $0xB;
	s9 =	sshrl.u32 s6, $0x1;
	(pc) =	sbr.rel .LBB2_1-.Ltmp0, $4  }
0xb: {  	s10 =	sshll.u32 s7, $0x10;
	s11 =	sadd.s32 s8, s5;
	s12 =	ssub.s32 s6, s9  }
0xc: {  	s31 =	sor.u32 $0x800, s10;
	s5 =	sadd.s32 s1, s10;
	s6 =	sadd.s32 s2, s10  }
0xd: {  	s9 =	sor.u32 $0x1000, s10;
	s10 =	sor.u32 $0x1800, s10;
	s7 =	sadd.s32 s1, s31  }
0xe: {  	v0 =	vimm.s32 $0x0;
	v1 =	vimm.s32 $0x1;
	s8 =	sadd.s32 s2, s31;
	s11 =	sadd.s32 $0x600, s11;
	s12 =	smax.u32 s12, $0x1  }
.LBB2_10:
0xf: {  	s22 =	sadd.s32 $0x1, s22  }
0x10: {  	p0 =	sne.s32 s22, s12  }
.Ltmp1:
0x11: {  	[tilespmem:$0x13FF0] =	vst v2;
	(pc) =	sbr.rel @!p0 .LBB2_11-.Ltmp1, $4  }
0x12: {  	[hbm4b:s11+s4] =	stream.linear.scatter [tilespmem:s18], [sflag:$0x5], $0x4000, $0x38;
	[tilespmem:$0x14000] =	vst v63  }
0x13: {  	_ =	swait.ge [sflag:s21], $0x4000  }
0x14: {  	[sflag:s21] =	ssyncset.done $0x0  }
0x15: {  	[sflag:s21] =	ssyncadd.s32 $0xFFFFC000  }
.LBB2_1:
0x16: {  	s23 =	simm.s32 $0x10040  }
0x17: {  	[tilespmem:s23+$0xFFFFFFC0] =	vst v0  }
0x18: {  	[tilespmem:s23+$0x30] =	vst v0  }
0x19: {  	[tilespmem:s23+$0x20] =	vst v0  }
0x1a: {  	[tilespmem:s23+$0x10] =	vst v0  }
0x1b: {  	[tilespmem:s23+$0x0] =	vst v0  }
0x1c: {  	[tilespmem:s23+$0xFFFFFFF0] =	vst v0  }
0x1d: {  	s24 =	simm.s32 $0x0;
	[tilespmem:s23+$0xFFFFFFE0] =	vst v0  }
.LBB2_2:
0x1e: {  	s24 =	sadd.s32 $0x8, s24;
	[tilespmem:s23+$0xFFFFFFD0] =	vst v0;
	s23 =	sadd.s32 $0x80, s23  }
0x1f: {  	[tilespmem:s23+$0xFFFFFFC0] =	vst v0;
	p0 =	slt.u32 s24, $0x3F8  }
0x20: {  	[tilespmem:s23+$0x30] =	vst v0  }
.Ltmp2:
0x21: {  	[tilespmem:s23+$0x20] =	vst v0;
	(pc) =	sbr.rel @p0 .LBB2_2-.Ltmp2, $4  }
0x22: {  	[tilespmem:s23+$0x10] =	vst v0  }
0x23: {  	[tilespmem:s23+$0x0] =	vst v0  }
0x24: {  	[tilespmem:s23+$0xFFFFFFF0] =	vst v0  }
0x25: {  	[tilespmem:s23+$0xFFFFFFE0] =	vst v0  }
0x26: {  	[tilespmem:s23+$0xFFFFFFD0] =	vst v0;
	s23 =	simm.s32 $0x0  }
0x27: {  	[tilespmem:s23], [sflag:$0x1] =	stream.linear.gather [hbm4b:s5+s23], $0x4000, $0x38;
	[tilespmem:$0x14000] =	vst v63  }
0x28: {  	_ = 	snop  }
0x29: {  	[tilespmem:s13], [sflag:$0x3] =	stream.linear.gather [hbm4b:s6+s23], $0x4000, $0x38;
	[tilespmem:$0x14000] =	vst v63  }
0x2a: {  	_ = 	snop  }
0x2b: {  	[tilespmem:s14], [sflag:$0x2] =	stream.linear.gather [hbm4b:s7+s23], $0x4000, $0x38;
	[tilespmem:$0x14000] =	vst v63  }
0x2c: {  	s24 =	simm.s32 $0x0  }
0x2d: {  	v2 =	vimm.f32 $0.0e+00;
	[tilespmem:s15], [sflag:$0x4] =	stream.linear.gather [hbm4b:s8+s23], $0x4000, $0x38;
	[tilespmem:$0x14000] =	vst v63  }
.LBB2_4:
0x2e: {  	_ =	swait.ge [sflag:s16], $0x4000  }
0x2f: {  	[sflag:s16] =	ssyncset.done $0x0  }
0x30: {  	[sflag:s16] =	ssyncadd.s32 $0xFFFFC000  }
0x31: {  	s25 =	sand.u32 $0x2000, s23;
	s26 =	sand.u32 $0x1C00, s23;
	_ =	swait.ge [sflag:s17], $0x4000  }
0x32: {  	s0 =	sand.u32 $0x380, s23;
	s25 =	sor.u32 s26, s25;
	[sflag:s17] =	ssyncset.done $0x0  }
0x33: {  	s25 =	sor.u32 s0, s25;
	[sflag:s17] =	ssyncadd.s32 $0xFFFFC000  }
0x34: {  	v3 =	vld [tilespmem:s25+$0x0]  }
0x35: {  	v4 =	vld [tilespmem:s25+$0x8000]  }
0x36: {  	v5 =	vld [tilespmem:s25+$0x10]  }
0x37: {  	v6 =	vld [tilespmem:s25+$0x8010]  }
0x38: {  	v7 =	vld [tilespmem:s25+$0x20]  }
0x39: {  	v8 =	vld [tilespmem:s25+$0x8020]  }
0x3a: {  	v9 =	vld [tilespmem:s25+$0x40]  }
0x3b: {  	v10 =	vld [tilespmem:s25+$0x8040]  }
0x3c: {  	v5 =	vsub.f32 v5, v6;
	_ =	sdelay $0x1  }
0x3d: {  	v12 =	vld [tilespmem:s25+$0x60];
	v7 =	vsub.f32 v7, v8;
	v5 =	vmul.f32 v5, v5  }
0x3e: {  	v14 =	vld [tilespmem:s25+$0x8060];
	v3 =	vsub.f32 v3, v4  }
0x3f: {  	v16 =	vld [tilespmem:s25+$0x70];
	v9 =	vsub.f32 v9, v10;
	v7 =	vmul.f32 v7, v7;
	v11 =	vshrl.u32 v5, $0x11  }
0x40: {  	v6 =	vld [tilespmem:s25+$0x30];
	v3 =	vmul.f32 v3, v3  }
0x41: {  	v4 =	vld [tilespmem:s25+$0x8030];
	v9 =	vmul.f32 v9, v9;
	v13 =	vshrl.u32 v7, $0x11  }
0x42: {  	v8 =	vld [tilespmem:s25+$0x50];
	v15 =	vshrl.u32 v3, $0x11  }
0x43: {  	v10 =	vld [tilespmem:s25+$0x8050];
	v17 =	vshrl.u32 v9, $0x11  }
0x44: {  	[tilespmem:v11+s18+$0x0] =	vst.idx.add.s32.msk $0xffff, v1  }
0x45: {  	s30 =	simm.s32 $0x400;
	s31 =	simm.s32 $0x80;
	v11 =	vld [tilespmem:s25+$0x8070]  }
0x46: {  	s26 =	sand.u32 $0x2000, s31;
	s28 =	sand.u32 $0x1C00, s30;
	[tilespmem:v13+s18+$0x0] =	vst.idx.add.s32.msk $0xffff, v1;
	s25 =	simm.s32 $0x10  }
0x47: {  	s26 =	sor.u32 s28, s26;
	v2 =	vadd.f32 v3, v2;
	[tilespmem:v15+s18+$0x0] =	vst.idx.add.s32.msk $0xffff, v1;
	s28 =	sand.u32 $0x380, s25  }
0x48: {  	[tilespmem:v17+s18+$0x0] =	vst.idx.add.s32.msk $0xffff, v1;
	s26 =	sor.u32 s28, s26  }
0x49: {  	v4 =	vsub.f32 v6, v4;
	v2 =	vadd.f32 v5, v2;
	v3 =	vld [tilespmem:s26+$0x0]  }
0x4a: {  	v12 =	vsub.f32 v12, v14;
	v5 =	vld [tilespmem:s26+$0x8000]  }
0x4b: {  	v4 =	vmul.f32 v4, v4;
	v2 =	vadd.f32 v7, v2;
	v6 =	vld [tilespmem:s26+$0x10]  }
0x4c: {  	v12 =	vmul.f32 v12, v12;
	v7 =	vld [tilespmem:s26+$0x8010]  }
0x4d: {  	v8 =	vsub.f32 v8, v10;
	v2 =	vadd.f32 v4, v2;
	v10 =	vld [tilespmem:s26+$0x20]  }
0x4e: {  	v60 =	vshrl.u32 v12, $0x11;
	v55 =	vld [tilespmem:s26+$0x8020]  }
0x4f: {  	v8 =	vmul.f32 v8, v8;
	v56 =	vld [tilespmem:s26+$0x30];
	v2 =	vadd.f32 v9, v2  }
0x50: {  	v9 =	vld [tilespmem:s26+$0x8030]  }
0x51: {  	v57 =	vshrl.u32 v8, $0x11;
	v2 =	vadd.f32 v8, v2;
	v8 =	vld [tilespmem:s26+$0x8040];
	v11 =	vsub.f32 v16, v11  }
0x52: {  	v6 =	vsub.f32 v6, v7;
	v7 =	vld [tilespmem:s26+$0x40]  }
0x53: {  	[tilespmem:v60+s18+$0x0] =	vst.idx.add.s32.msk $0xffff, v1;
	v2 =	vadd.f32 v12, v2;
	v11 =	vmul.f32 v11, v11  }
0x54: {  	v58 =	vld [tilespmem:s26+$0x50];
	v10 =	vsub.f32 v10, v55;
	v3 =	vsub.f32 v3, v5  }
0x55: {  	v59 =	vld [tilespmem:s26+$0x8050];
	v2 =	vadd.f32 v11, v2;
	v6 =	vmul.f32 v6, v6  }
0x56: {  	v62 =	vld [tilespmem:s26+$0x60];
	v63 =	vshrl.u32 v11, $0x11;
	v18 =	vmul.f32 v10, v10;
	v19 =	vmul.f32 v3, v3  }
0x57: {  	v21 =	vld [tilespmem:s26+$0x8060];
	v3 =	vsub.f32 v56, v9;
	v61 =	vshrl.u32 v6, $0x11;
	v7 =	vsub.f32 v7, v8  }
0x58: {  	[tilespmem:v57+s18+$0x0] =	vst.idx.add.s32.msk $0xffff, v1;
	v20 =	vshrl.u32 v18, $0x11;
	v8 =	vadd.f32 v19, v2  }
0x59: {  	v5 =	vld [tilespmem:s26+$0x70];
	v10 =	vshrl.u32 v4, $0x11;
	v2 =	vmul.f32 v3, v3;
	v3 =	vmul.f32 v7, v7  }
0x5a: {  	v11 =	vld [tilespmem:s26+$0x8070];
	v6 =	vadd.f32 v6, v8;
	v7 =	vshrl.u32 v19, $0x11  }
0x5b: {  	[tilespmem:v63+s18+$0x0] =	vst.idx.add.s32.msk $0xffff, v1;
	v9 =	vshrl.u32 v3, $0x11  }
0x5c: {  	[tilespmem:v61+s18+$0x0] =	vst.idx.add.s32.msk $0xffff, v1;
	v4 =	vadd.f32 v18, v6  }
0x5d: {  	s29 =	simm.s32 $0x100;
	s28 =	simm.s32 $0x800;
	s26 =	simm.s32 $0x8;
	v8 =	vsub.f32 v58, v59;
	[tilespmem:v20+s18+$0x0] =	vst.idx.add.s32.msk $0xffff, v1;
	v6 =	vsub.f32 v62, v21  }
.LBB2_5:
0x5e: {  	s30 =	sand.u32 $0x2000, s29;
	s31 =	sand.u32 $0x1C00, s28;
	v4 =	vadd.f32 v2, v4;
	s25 =	sadd.s32 $0x10, s25;
	[tilespmem:v10+s18+$0x0] =	vst.idx.add.s32.msk $0xffff, v1  }
0x5f: {  	s26 =	sadd.s32 $0x8, s26;
	s30 =	sor.u32 s31, s30;
	s31 =	sand.u32 $0x380, s25;
	[tilespmem:v7+s18+$0x0] =	vst.idx.add.s32.msk $0xffff, v1;
	v7 =	vmul.f32 v8, v8  }
0x60: {  	p0 =	slt.u32 s26, $0x3F8;
	s30 =	sor.u32 s31, s30;
	[tilespmem:v9+s18+$0x0] =	vst.idx.add.s32.msk $0xffff, v1;
	v3 =	vadd.f32 v3, v4;
	v4 =	vsub.f32 v5, v11  }
0x61: {  	v5 =	vld [tilespmem:s30+$0x0]  }
0x62: {  	v8 =	vld [tilespmem:s30+$0x8000];
	v3 =	vadd.f32 v7, v3  }
0x63: {  	v9 =	vld [tilespmem:s30+$0x10]  }
0x64: {  	v10 =	vld [tilespmem:s30+$0x8010]  }
0x65: {  	v11 =	vld [tilespmem:s30+$0x20]  }
0x66: {  	v12 =	vld [tilespmem:s30+$0x8020]  }
0x67: {  	v5 =	vsub.f32 v5, v8;
	v8 =	vld [tilespmem:s30+$0x30]  }
0x68: {  	v7 =	vshrl.u32 v7, $0x11;
	v13 =	vld [tilespmem:s30+$0x8030]  }
0x69: {  	v9 =	vsub.f32 v9, v10;
	v10 =	vld [tilespmem:s30+$0x40]  }
0x6a: {  	v6 =	vmul.f32 v6, v6;
	v14 =	vld [tilespmem:s30+$0x8040]  }
0x6b: {  	v9 =	vmul.f32 v9, v9;
	v11 =	vsub.f32 v11, v12;
	v12 =	vld [tilespmem:s30+$0x50]  }
0x6c: {  	v16 =	vshrl.u32 v6, $0x11;
	v4 =	vmul.f32 v4, v4;
	v3 =	vadd.f32 v6, v3;
	v15 =	vld [tilespmem:s30+$0x8050]  }
0x6d: {  	v6 =	vshrl.u32 v9, $0x11;
	v17 =	vmul.f32 v11, v11;
	v8 =	vsub.f32 v8, v13;
	[tilespmem:v7+s18+$0x0] =	vst.idx.add.s32.msk $0xffff, v1  }
0x6e: {  	v3 =	vadd.f32 v4, v3;
	v7 =	vmul.f32 v5, v5;
	v13 =	vld [tilespmem:s30+$0x60]  }
0x6f: {  	v18 =	vshrl.u32 v17, $0x11;
	v11 =	vmul.f32 v8, v8;
	v8 =	vsub.f32 v10, v14;
	v14 =	vld [tilespmem:s30+$0x8060]  }
0x70: {  	v20 =	vshrl.u32 v4, $0x11;
	v19 =	vadd.f32 v7, v3;
	v5 =	vld [tilespmem:s30+$0x70]  }
.Ltmp3:
0x71: {  	v10 =	vshrl.u32 v2, $0x11;
	v3 =	vmul.f32 v8, v8;
	v8 =	vsub.f32 v12, v15;
	[tilespmem:v16+s18+$0x0] =	vst.idx.add.s32.msk $0xffff, v1;
	(pc) =	sbr.rel @p0 .LBB2_5-.Ltmp3, $4  }
0x72: {  	v7 =	vshrl.u32 v7, $0x11;
	v4 =	vadd.f32 v9, v19;
	v2 =	vmov v11;
	[tilespmem:v6+s18+$0x0] =	vst.idx.add.s32.msk $0xffff, v1  }
0x73: {  	v9 =	vshrl.u32 v3, $0x11;
	v11 =	vld [tilespmem:s30+$0x8070]  }
0x74: {  	v4 =	vadd.f32 v17, v4;
	[tilespmem:v18+s18+$0x0] =	vst.idx.add.s32.msk $0xffff, v1;
	v6 =	vsub.f32 v13, v14  }
0x75: {  	s28 =	sadd.s32 $0x400, s28;
	s29 =	sadd.s32 $0x80, s29;
	[tilespmem:v20+s18+$0x0] =	vst.idx.add.s32.msk $0xffff, v1  }
0x76: {  	_ =	sdelay $0x2  }
0x77: {  	v8 =	vmul.f32 v8, v8;
	v5 =	vsub.f32 v5, v11  }
0x78: {  	v6 =	vmul.f32 v6, v6;
	[tilespmem:v7+s18+$0x0] =	vst.idx.add.s32.msk $0xffff, v1;
	v7 =	vshrl.u32 v2, $0x11  }
0x79: {  	v11 =	vshrl.u32 v8, $0x11;
	v5 =	vmul.f32 v5, v5  }
0x7a: {  	v12 =	vshrl.u32 v6, $0x11  }
0x7b: {  	[tilespmem:v10+s18+$0x0] =	vst.idx.add.s32.msk $0xffff, v1;
	v10 =	vshrl.u32 v5, $0x11  }
0x7c: {  	[tilespmem:v9+s18+$0x0] =	vst.idx.add.s32.msk $0xffff, v1  }
0x7d: {  	[tilespmem:v7+s18+$0x0] =	vst.idx.add.s32.msk $0xffff, v1  }
0x7e: {  	s25 =	sshll.u32 s24, $0xC;
	p0 =	seq.s32 s24, $0xF;
	[tilespmem:v11+s18+$0x0] =	vst.idx.add.s32.msk $0xffff, v1  }
0x7f: {  	s26 =	sadd.s32 @!p0 s25, s9;
	[tilespmem:v12+s18+$0x0] =	vst.idx.add.s32.msk $0xffff, v1  }
0x80: {  	s29 =	simm.s32 @!p0 $0x0;
	s28 =	sadd.s32 @!p0 s1, s26;
	[tilespmem:v10+s18+$0x0] =	vst.idx.add.s32.msk $0xffff, v1  }
0x81: {  	[tilespmem:s29], [sflag:$0x1] =	stream.linear.gather @!p0 [hbm4b:s28+s29], $0x4000, $0x38;
	[tilespmem:$0x14000] =	vst v63  }
0x82: {  	s26 =	sadd.s32 @!p0 s2, s26;
	s28 =	simm.s32 @!p0 $0x8000  }
0x83: {  	[tilespmem:s28], [sflag:$0x3] =	stream.linear.gather @!p0 [hbm4b:s26+s29], $0x4000, $0x38;
	[tilespmem:$0x14000] =	vst v63  }
0x84: {  	_ =	swait.ge [sflag:s19], $0x4000  }
0x85: {  	[sflag:s19] =	ssyncset.done $0x0  }
0x86: {  	s0 =	simm.s32 $0x0;
	[sflag:s19] =	ssyncadd.s32 $0xFFFFC000  }
0x87: {  	s28 =	sand.u32 $0x2000, s0;
	s29 =	sand.u32 $0x1C00, s0;
	_ =	swait.ge [sflag:s20], $0x4000  }
0x88: {  	s26 =	sand.u32 $0x380, s0;
	s28 =	sor.u32 s29, s28;
	[sflag:s20] =	ssyncset.done $0x0  }
0x89: {  	s26 =	sor.u32 s26, s28;
	[sflag:s20] =	ssyncadd.s32 $0xFFFFC000  }
0x8a: {  	v7 =	vld [tilespmem:s26+$0x4000]  }
0x8b: {  	v9 =	vld [tilespmem:s26+$0xC000]  }
0x8c: {  	v10 =	vld [tilespmem:s26+$0x4010]  }
0x8d: {  	v11 =	vld [tilespmem:s26+$0xC010]  }
0x8e: {  	v49 =	vld [tilespmem:s26+$0x4020]  }
0x8f: {  	v13 =	vld [tilespmem:s26+$0xC020]  }
0x90: {  	v2 =	vadd.f32 v2, v4;
	v14 =	vld [tilespmem:s26+$0x4040]  }
0x91: {  	v15 =	vld [tilespmem:s26+$0xC040]  }
0x92: {  	v2 =	vadd.f32 v3, v2;
	v3 =	vld [tilespmem:s26+$0xC050]  }
0x93: {  	v51 =	vld [tilespmem:s26+$0x4060]  }
0x94: {  	v2 =	vadd.f32 v8, v2;
	v8 =	vld [tilespmem:s26+$0xC060]  }
0x95: {  	v18 =	vld [tilespmem:s26+$0x4070]  }
0x96: {  	v2 =	vadd.f32 v6, v2;
	v6 =	vld [tilespmem:s26+$0xC070]  }
0x97: {  	v10 =	vsub.f32 v10, v11;
	v11 =	vld [tilespmem:s26+$0x4030]  }
0x98: {  	s31 =	simm.s32 $0x400;
	s28 =	simm.s32 $0x80;
	v4 =	vsub.f32 v7, v9;
	v7 =	vld [tilespmem:s26+$0xC030]  }
0x99: {  	s29 =	sand.u32 $0x1C00, s31;
	s28 =	sand.u32 $0x2000, s28;
	v9 =	vld [tilespmem:s26+$0x4050];
	s26 =	simm.s32 $0x10  }
0x9a: {  	s28 =	sor.u32 s29, s28;
	s29 =	sand.u32 $0x380, s26  }
0x9b: {  	s28 =	sor.u32 s29, s28  }
0x9c: {  	v2 =	vadd.f32 v5, v2;
	v4 =	vmul.f32 v4, v4;
	v52 =	vld [tilespmem:s28+$0xC020]  }
0x9d: {  	v53 =	vld [tilespmem:s28+$0x4030]  }
0x9e: {  	v12 =	vsub.f32 v49, v13;
	v10 =	vmul.f32 v10, v10;
	v54 =	vld [tilespmem:s28+$0xC030];
	v2 =	vadd.f32 v4, v2  }
0x9f: {  	v56 =	vld [tilespmem:s28+$0xC040]  }
0xa0: {  	v12 =	vmul.f32 v12, v12;
	v60 =	vld [tilespmem:s28+$0x4060];
	v5 =	vsub.f32 v11, v7;
	v2 =	vadd.f32 v10, v2  }
0xa1: {  	v14 =	vsub.f32 v14, v15;
	v21 =	vld [tilespmem:s28+$0xC060];
	v50 =	vshrl.u32 v10, $0x11  }
0xa2: {  	v17 =	vshrl.u32 v4, $0x11;
	v4 =	vld [tilespmem:s28+$0x4000];
	v5 =	vmul.f32 v5, v5;
	v2 =	vadd.f32 v12, v2  }
0xa3: {  	v16 =	vshrl.u32 v12, $0x11;
	v3 =	vsub.f32 v9, v3;
	v9 =	vld [tilespmem:s28+$0xC010]  }
0xa4: {  	v14 =	vmul.f32 v14, v14;
	v10 =	vld [tilespmem:s28+$0x4010];
	v2 =	vadd.f32 v5, v2  }
0xa5: {  	v8 =	vsub.f32 v51, v8;
	v6 =	vsub.f32 v18, v6;
	v7 =	vld [tilespmem:s28+$0xC000]  }
0xa6: {  	v19 =	vshrl.u32 v14, $0x11;
	v11 =	vld [tilespmem:s28+$0x4020];
	v3 =	vmul.f32 v3, v3;
	v2 =	vadd.f32 v14, v2  }
0xa7: {  	v6 =	vmul.f32 v6, v6;
	[tilespmem:v50+s18+$0x0] =	vst.idx.add.s32.msk $0xffff, v1  }
0xa8: {  	[tilespmem:v16+s18+$0x0] =	vst.idx.add.s32.msk $0xffff, v1;
	v55 =	vshrl.u32 v3, $0x11;
	v2 =	vadd.f32 v3, v2;
	v3 =	vmul.f32 v8, v8  }
0xa9: {  	v62 =	vshrl.u32 v6, $0x11;
	v9 =	vsub.f32 v10, v9;
	v10 =	vld [tilespmem:s28+$0x4040]  }
0xaa: {  	[tilespmem:v17+s18+$0x0] =	vst.idx.add.s32.msk $0xffff, v1;
	v4 =	vsub.f32 v4, v7;
	v2 =	vadd.f32 v3, v2  }
0xab: {  	[tilespmem:v19+s18+$0x0] =	vst.idx.add.s32.msk $0xffff, v1;
	v8 =	vmul.f32 v9, v9;
	v9 =	vsub.f32 v11, v52  }
0xac: {  	v7 =	vld [tilespmem:s28+$0xC050];
	v61 =	vmul.f32 v4, v4;
	v2 =	vadd.f32 v6, v2  }
0xad: {  	v4 =	vsub.f32 v53, v54;
	v11 =	vld [tilespmem:s28+$0x4050];
	v57 =	vshrl.u32 v3, $0x11;
	v59 =	vmul.f32 v9, v9  }
0xae: {  	[tilespmem:v62+s18+$0x0] =	vst.idx.add.s32.msk $0xffff, v1;
	v58 =	vshrl.u32 v8, $0x11;
	v6 =	vsub.f32 v10, v56;
	v9 =	vadd.f32 v61, v2  }
0xaf: {  	[tilespmem:v55+s18+$0x0] =	vst.idx.add.s32.msk $0xffff, v1;
	v20 =	vshrl.u32 v59, $0x11;
	v2 =	vmul.f32 v4, v4  }
0xb0: {  	v3 =	vld [tilespmem:s28+$0x4070];
	v4 =	vmul.f32 v6, v6;
	v63 =	vadd.f32 v8, v9;
	v9 =	vshrl.u32 v5, $0x11  }
0xb1: {  	v10 =	vld [tilespmem:s28+$0xC070];
	v6 =	vshrl.u32 v61, $0x11  }
0xb2: {  	[tilespmem:v57+s18+$0x0] =	vst.idx.add.s32.msk $0xffff, v1;
	v8 =	vsub.f32 v11, v7;
	v7 =	vshrl.u32 v4, $0x11  }
0xb3: {  	[tilespmem:v58+s18+$0x0] =	vst.idx.add.s32.msk $0xffff, v1;
	v11 =	vadd.f32 v59, v63  }
0xb4: {  	s30 =	simm.s32 $0x100;
	s29 =	simm.s32 $0x800;
	s28 =	simm.s32 $0x8;
	v5 =	vsub.f32 v60, v21;
	[tilespmem:v20+s18+$0x0] =	vst.idx.add.s32.msk $0xffff, v1  }
.LBB2_7:
0xb5: {  	s31 =	sand.u32 $0x2000, s30;
	s0 =	sand.u32 $0x1C00, s29;
	v11 =	vadd.f32 v2, v11;
	s26 =	sadd.s32 $0x10, s26;
	[tilespmem:v9+s18+$0x0] =	vst.idx.add.s32.msk $0xffff, v1  }
0xb6: {  	s28 =	sadd.s32 $0x8, s28;
	s0 =	sor.u32 s0, s31;
	s31 =	sand.u32 $0x380, s26;
	[tilespmem:v6+s18+$0x0] =	vst.idx.add.s32.msk $0xffff, v1;
	v6 =	vmul.f32 v8, v8  }
0xb7: {  	p1 =	slt.u32 s28, $0x3F8;
	s31 =	sor.u32 s31, s0;
	[tilespmem:v7+s18+$0x0] =	vst.idx.add.s32.msk $0xffff, v1;
	v4 =	vadd.f32 v4, v11;
	v3 =	vsub.f32 v3, v10  }
0xb8: {  	v7 =	vld [tilespmem:s31+$0x4000]  }
0xb9: {  	v8 =	vld [tilespmem:s31+$0xC000];
	v4 =	vadd.f32 v6, v4  }
0xba: {  	v9 =	vld [tilespmem:s31+$0x4010]  }
0xbb: {  	v10 =	vld [tilespmem:s31+$0xC010]  }
0xbc: {  	v11 =	vld [tilespmem:s31+$0x4020]  }
0xbd: {  	v12 =	vld [tilespmem:s31+$0xC020]  }
0xbe: {  	v7 =	vsub.f32 v7, v8;
	v8 =	vld [tilespmem:s31+$0x4030]  }
0xbf: {  	v6 =	vshrl.u32 v6, $0x11;
	v13 =	vld [tilespmem:s31+$0xC030]  }
0xc0: {  	v9 =	vsub.f32 v9, v10;
	v10 =	vld [tilespmem:s31+$0x4040]  }
0xc1: {  	v5 =	vmul.f32 v5, v5;
	v14 =	vld [tilespmem:s31+$0xC040]  }
0xc2: {  	v15 =	vmul.f32 v9, v9;
	v9 =	vsub.f32 v11, v12;
	v11 =	vld [tilespmem:s31+$0x4050]  }
0xc3: {  	v16 =	vshrl.u32 v5, $0x11;
	v4 =	vadd.f32 v5, v4;
	v5 =	vmul.f32 v3, v3;
	v12 =	vld [tilespmem:s31+$0xC050]  }
0xc4: {  	v17 =	vshrl.u32 v15, $0x11;
	v18 =	vmul.f32 v9, v9;
	v3 =	vsub.f32 v8, v13;
	[tilespmem:v6+s18+$0x0] =	vst.idx.add.s32.msk $0xffff, v1  }
0xc5: {  	v4 =	vadd.f32 v5, v4;
	v6 =	vmul.f32 v7, v7;
	v13 =	vld [tilespmem:s31+$0x4060]  }
0xc6: {  	v19 =	vshrl.u32 v18, $0x11;
	v7 =	vmul.f32 v3, v3;
	v8 =	vsub.f32 v10, v14;
	v14 =	vld [tilespmem:s31+$0xC060]  }
0xc7: {  	v20 =	vshrl.u32 v5, $0x11;
	v10 =	vadd.f32 v6, v4;
	v3 =	vld [tilespmem:s31+$0x4070]  }
.Ltmp4:
0xc8: {  	v9 =	vshrl.u32 v2, $0x11;
	v4 =	vmul.f32 v8, v8;
	v8 =	vsub.f32 v11, v12;
	[tilespmem:v16+s18+$0x0] =	vst.idx.add.s32.msk $0xffff, v1;
	(pc) =	sbr.rel @p1 .LBB2_7-.Ltmp4, $4  }
0xc9: {  	v6 =	vshrl.u32 v6, $0x11;
	v5 =	vadd.f32 v15, v10;
	v2 =	vmov v7;
	[tilespmem:v17+s18+$0x0] =	vst.idx.add.s32.msk $0xffff, v1  }
0xca: {  	v7 =	vshrl.u32 v4, $0x11;
	v10 =	vld [tilespmem:s31+$0xC070]  }
0xcb: {  	v11 =	vadd.f32 v18, v5;
	[tilespmem:v19+s18+$0x0] =	vst.idx.add.s32.msk $0xffff, v1;
	v5 =	vsub.f32 v13, v14  }
0xcc: {  	s29 =	sadd.s32 $0x400, s29;
	s30 =	sadd.s32 $0x80, s30;
	[tilespmem:v20+s18+$0x0] =	vst.idx.add.s32.msk $0xffff, v1  }
0xcd: {  	_ =	sdelay $0x1  }
0xce: {  	v8 =	vmul.f32 v8, v8;
	v3 =	vsub.f32 v3, v10  }
0xcf: {  	v5 =	vmul.f32 v5, v5;
	v60 =	vadd.f32 v2, v11;
	v63 =	vshrl.u32 v2, $0x11  }
0xd0: {  	v61 =	vshrl.u32 v8, $0x11;
	v3 =	vmul.f32 v3, v3  }
0xd1: {  	[tilespmem:v9+s18+$0x0] =	vst.idx.add.s32.msk $0xffff, v1;
	v12 =	vshrl.u32 v5, $0x11;
	v4 =	vadd.f32 v4, v60  }
0xd2: {  	[tilespmem:v6+s18+$0x0] =	vst.idx.add.s32.msk $0xffff, v1;
	v62 =	vshrl.u32 v3, $0x11  }
.Ltmp5:
0xd3: {  	[tilespmem:v7+s18+$0x0] =	vst.idx.add.s32.msk $0xffff, v1;
	v2 =	vadd.f32 v8, v4;
	(pc) =	sbr.rel @p0 .LBB2_10-.Ltmp5, $4  }
0xd4: {  	[tilespmem:v63+s18+$0x0] =	vst.idx.add.s32.msk $0xffff, v1  }
0xd5: {  	v2 =	vadd.f32 v5, v2;
	[tilespmem:v61+s18+$0x0] =	vst.idx.add.s32.msk $0xffff, v1  }
0xd6: {  	[tilespmem:v12+s18+$0x0] =	vst.idx.add.s32.msk $0xffff, v1  }
0xd7: {  	v2 =	vadd.f32 v3, v2;
	[tilespmem:v62+s18+$0x0] =	vst.idx.add.s32.msk $0xffff, v1  }
.Ltmp6:
0xd8: {  	s0 =	sadd.s32 s25, s10;
	(pc) =	sbr.rel .LBB2_4-.Ltmp6, $4  }
0xd9: {  	s25 =	sadd.s32 s1, s0  }
0xda: {  	[tilespmem:s14], [sflag:$0x2] =	stream.linear.gather [hbm4b:s25+s4], $0x4000, $0x38;
	[tilespmem:$0x14000] =	vst v63  }
0xdb: {  	s24 =	sadd.s32 $0x1, s24;
	s0 =	sadd.s32 s2, s0  }
0xdc: {  	[tilespmem:s15], [sflag:$0x4] =	stream.linear.gather [hbm4b:s0+s4], $0x4000, $0x38;
	[tilespmem:$0x14000] =	vst v63  }
.LBB2_11:
0xdd: {  	_ =	sfence.sel $0x180000  }
0xde: {  	[bflag:$0x0] =	sbarrier.arrive $0xFFFF  }
0xdf: {  	_ =	strace $0x90000047  }
0xe0: {  	[bflag:$0x2] =	sbarrier.arrive $0xFFFF  }
0xe1: {  	p0 =	sne.s32 s3, $0x0;
	s0 =	rddreg [dreg:$0x3]  }
0xe2: {  	s0 =	sadd.s32 @!p0 $0x100000, s0  }
0xe3: {  	[sflag:s0] =	ssyncadd.tile.s32 @!p0 $0x1;
	_ =	shalt  }
.Lfunc_end2:
_tile_overlayer_lowered:
.L_overlay_start_2:
0xe4: {  	(tag) =	ssettag $0x2  }
0xe5: {  	s0 =	rddreg [dreg:$0x0];
	s2 =	stileid.u32  }
0xe6: {  	s1 =	rddreg [dreg:$0x1];
	p0 =	sne.s32 s2, $0x0  }
0xe7: {  	s3 =	rddreg [dreg:$0x2];
	[bflag:$0x3] =	sbarrier.arrive $0xFFFF;
	s2 =	simm.s32 @!p0 $0x1C05  }
0xe8: {  	[timem:s3], [sflag:s2] =	dma.local @!p0 [hbm:s0], s1  }
0xe9: {  	s0 =	simm.s32 @!p0 $0x5  }
0xea: {  	_ =	swait.ge @!p0 [sflag:s0], s1  }
0xeb: {  	s1 =	ssub.s32 @!p0 $0x0, s1;
	[sflag:s0] =	ssyncset.done @!p0 $0x0  }
0xec: {  	[sflag:s0] =	ssyncadd.s32 @!p0 s1  }
0xed: {  	[bflag:$0x3] =	sbarrier.arrive $0xFFFF  }
0xee: {  	_ =	shalt  }

</sc_bundles>
